<compile_context>
chip_gen: v7x
topology: tpu7x:2x2x1
jax: 0.10.2.dev20260603
libtpu: 0.0.44.dev20260713+nightly
codegen_flags: <defaults>
</compile_context>

<pallas_src>
import jax
import jax.numpy as jnp
from jax import lax
from jax.experimental import pallas as pl
from jax.experimental.pallas import tpu as pltpu
from jax.experimental.pallas import tpu_sc as plsc

N = 4096
D = 128
O = 128
E = 64
TB = 128
TA = 512
NTA = N // TA
SC = TA // TB
SP = 72
CAP = N + E * TB
NB = CAP // TB
NBP = 128
GC = 2
BPG = NB // GC

_DEF = lax.Precision.DEFAULT


def _gate_body(x_ref, wg_ref, bg_ref, p_ref, blk_ref, eidx_s, r_s, cnt_s, start_s):
    t = pl.program_id(0)

    @pl.when(t == 0)
    def _():
        cnt_s[...] = jnp.zeros((E, 1), jnp.float32)

    @pl.when(t < NTA)
    def _():
        xb = x_ref[...]
        wg = wg_ref[...]
        logits_t = lax.dot_general(wg, xb, (((1,), (1,)), ((), ())),
                                   precision=_DEF) + bg_ref[...]
        m = jnp.max(logits_t, axis=0, keepdims=True)
        ie = lax.broadcasted_iota(jnp.int32, (E, TA), 0)
        eidx = jnp.min(jnp.where(logits_t == m, ie, E), axis=0, keepdims=True)
        ht = (ie == eidx).astype(jnp.float32)
        eidx_s[pl.ds(t, 1), :] = eidx

        ii = lax.broadcasted_iota(jnp.int32, (TB, TB), 0)
        jj = lax.broadcasted_iota(jnp.int32, (TB, TB), 1)
        tri = (ii <= jj).astype(jnp.float32)
        cnt = cnt_s[...]
        r_parts = []
        for c in range(SC):
            htc = ht[:, c * TB:(c + 1) * TB]
            ct = lax.dot_general(htc, tri, (((1,), (0,)), ((), ())),
                                 precision=_DEF)
            rank1 = jnp.sum(ct * htc, axis=0, keepdims=True)
            prev = jnp.sum(htc * cnt, axis=0, keepdims=True)
            r_parts.append((rank1 - 1.0 + prev).astype(jnp.int32))
            cnt = cnt + jnp.sum(htc, axis=1, keepdims=True)
        r_s[pl.ds(t, 1), :] = jnp.concatenate(r_parts, axis=1)
        cnt_s[...] = cnt

        @pl.when(t == NTA - 1)
        def _():
            ci = cnt.astype(jnp.int32)
            pc = ((ci + (TB - 1)) // TB) * TB
            pcf = pc.astype(jnp.float32)
            rows = lax.broadcasted_iota(jnp.int32, (SP, E), 0)
            cols = lax.broadcasted_iota(jnp.int32, (SP, E), 1)
            strict = (cols < rows).astype(jnp.float32)
            start = lax.dot_general(strict, pcf, (((1,), (0,)), ((), ())),
                                    precision=_DEF)
            start_s[...] = start.astype(jnp.int32)

            s_lo = start_s[pl.ds(0, E), :]
            s_hi = start_s[pl.ds(1, E), :]
            kk = lax.broadcasted_iota(jnp.int32, (E, NBP), 1) * TB
            ind = (kk >= s_lo) & (kk < s_hi)
            ie2 = lax.broadcasted_iota(jnp.int32, (E, NBP), 0)
            blk_ref[...] = jnp.sum(jnp.where(ind, ie2, 0), axis=0,
                                   keepdims=True)

    @pl.when(t == NTA)
    def _():
        ie = lax.broadcasted_iota(jnp.int32, (E, TA), 0)
        startf = start_s[pl.ds(0, E), :].astype(jnp.float32)
        for u in range(NTA):
            eidx = eidx_s[pl.ds(u, 1), :]
            ht = ie == eidx
            sel = jnp.sum(jnp.where(ht, startf, 0.0), axis=0, keepdims=True)
            p_ref[pl.ds(u, 1), 0, :] = (sel.astype(jnp.int32)
                                        + r_s[pl.ds(u, 1), :])


def _mm_body(blk_ref, xs_ref, w_ref, b_ref, out_ref):
    g = pl.program_id(0)
    for j in range(BPG):
        e = blk_ref[g * BPG + j]
        w = w_ref[pl.ds(e, 1)][0]
        b = b_ref[pl.ds(e, 1)][0]
        acc = lax.dot_general(xs_ref[pl.ds(j * TB, TB), :], w,
                              (((1,), (1,)), ((), ())), precision=_DEF)
        out_ref[pl.ds(j * TB, TB), :] = acc + b


def kernel(x, W_experts, b_experts, W_gate, b_gate):
    p3, blk2 = pl.pallas_call(
        _gate_body,
        grid=(NTA + 1,),
        in_specs=[
            pl.BlockSpec((TA, D), lambda t: (t % NTA, 0)),
            pl.BlockSpec((E, D), lambda t: (0, 0)),
            pl.BlockSpec((E, 1), lambda t: (0, 0)),
        ],
        out_specs=[
            pl.BlockSpec((NTA, 1, TA), lambda t: (0, 0, 0)),
            pl.BlockSpec((1, NBP), lambda t: (0, 0)),
        ],
        out_shape=[
            jax.ShapeDtypeStruct((NTA, 1, TA), jnp.int32),
            jax.ShapeDtypeStruct((1, NBP), jnp.int32),
        ],
        scratch_shapes=[
            pltpu.VMEM((NTA, TA), jnp.int32),
            pltpu.VMEM((NTA, TA), jnp.int32),
            pltpu.VMEM((E, 1), jnp.float32),
            pltpu.VMEM((SP, 1), jnp.int32),
        ],
    )(x, W_gate, b_gate.reshape(E, 1))

    p_flat = p3.reshape(N)
    blk_flat = blk2.reshape(NBP)

    info = plsc.get_sparse_core_info()
    nc, ns = info.num_cores, info.num_subcores
    nw = nc * ns
    chunk = N // nw
    mesh = plsc.VectorSubcoreMesh(core_axis_name="c", subcore_axis_name="s")

    def _dispatch_body(x_hbm, p_hbm, xs_hbm, p_v, x_v, sem, sem2):
        wid = lax.axis_index("s") * nc + lax.axis_index("c")
        base = wid * chunk
        cp_p = pltpu.async_copy(p_hbm.at[pl.ds(base, chunk)], p_v, sem)
        cp_x = pltpu.async_copy(x_hbm.at[pl.ds(base, chunk)], x_v, sem2)
        cp_p.wait()
        cp_x.wait()
        pltpu.async_copy(x_v, xs_hbm.at[p_v], sem).wait()

    xs = pl.kernel(
        _dispatch_body,
        out_type=jax.ShapeDtypeStruct((CAP, D), jnp.float32),
        mesh=mesh,
        scratch_types=[
            pltpu.VMEM((chunk,), jnp.int32),
            pltpu.VMEM((chunk, D), jnp.float32),
            pltpu.SemaphoreType.DMA,
            pltpu.SemaphoreType.DMA,
        ],
    )(x, p_flat)

    osort = pl.pallas_call(
        _mm_body,
        grid=(GC,),
        in_specs=[
            pl.BlockSpec(memory_space=pltpu.SMEM),
            pl.BlockSpec((BPG * TB, D), lambda g: (g, 0)),
            pl.BlockSpec((E, O, D), lambda g: (0, 0, 0)),
            pl.BlockSpec((E, 1, O), lambda g: (0, 0, 0)),
        ],
        out_specs=pl.BlockSpec((BPG * TB, O), lambda g: (g, 0)),
        out_shape=jax.ShapeDtypeStruct((CAP, O), jnp.float32),
    )(blk_flat, xs, W_experts, b_experts.reshape(E, 1, O))

    def _collect_body(os_hbm, p_hbm, out_hbm, p_v, o_v, sem):
        wid = lax.axis_index("s") * nc + lax.axis_index("c")
        base = wid * chunk
        pltpu.sync_copy(p_hbm.at[pl.ds(base, chunk)], p_v)
        pltpu.async_copy(os_hbm.at[p_v], o_v, sem).wait()
        pltpu.sync_copy(o_v, out_hbm.at[pl.ds(base, chunk)])

    out = pl.kernel(
        _collect_body,
        out_type=jax.ShapeDtypeStruct((N, O), jnp.float32),
        mesh=mesh,
        scratch_types=[
            pltpu.VMEM((chunk,), jnp.int32),
            pltpu.VMEM((chunk, O), jnp.float32),
            pltpu.SemaphoreType.DMA,
        ],
    )(osort, p_flat)

    return out

# --- scband reference (transcript-rebuilt; emitter-appended) ---
"""Pipeline reference for scband-mo-emodule-17695265259900 (READ-ONLY COPY).

The authoritative reference and input builder live on the scoring server;
editing this copy changes nothing except your own understanding.
"""

import jax, jax.numpy as jnp
import numpy as np

N = 4096
HIDDEN = 128
OUT = 128
E = 64

def setup_inputs(seed: int = 0) -> dict:
    key = jax.random.key(seed)
    k1, k2, k3, k4, k5 = jax.random.split(key, 5)
    x = jax.random.normal(k1, (N, HIDDEN), dtype=jnp.float32)
    W_experts = jax.random.normal(k2, (E, OUT, HIDDEN), dtype=jnp.float32) * (1.0 / np.sqrt(HIDDEN))
    b_experts = jax.random.normal(k3, (E, OUT), dtype=jnp.float32) * 0.01
    W_gate = jax.random.normal(k4, (E, HIDDEN), dtype=jnp.float32) * (1.0 / np.sqrt(HIDDEN))
    b_gate = jax.random.normal(k5, (E,), dtype=jnp.float32) * 0.01
    return {"x": x, "W_experts": W_experts, "b_experts": b_experts, "W_gate": W_gate, "b_gate": b_gate}

def reference(x, W_experts, b_experts, W_gate, b_gate):
    # gate: nn.Linear(hidden_dim, num_experts) -> softmax -> argmax (top-1 routing)
    logits = x @ W_gate.T + b_gate
    weights = jax.nn.softmax(logits, axis=-1)
    expert_idx = jnp.argmax(weights, axis=-1)  # int32[N]
    # per-token expert apply: out[n] = x[n] @ W_experts[expert_idx[n]].T + b_experts[expert_idx[n]]
    W_sel = jnp.take(W_experts, expert_idx, axis=0)  # [N, OUT, HIDDEN] gather (memory-dominant)
    b_sel = jnp.take(b_experts, expert_idx, axis=0)  # [N, OUT]
    out = jnp.einsum('nd,nod->no', x, W_sel) + b_sel
    return out

if __name__ == "__main__":
    import jax
    _d = setup_inputs()
    print(jax.jit(kernel)(*tuple(_d.values())))

</pallas_src>

<mosaic_0001>
#map = affine_map<(d0, d1) -> (0, 0)>
#map1 = affine_map<(d0, d1) -> (0)>
module attributes {stable_mosaic.version = 14 : i64} {
  func.func @_dispatch_body(%arg0: i32, %arg1: i32, %arg2: memref<4096x128xf32, #tpu.memory_space<hbm>>, %arg3: memref<4096xi32, #tpu.memory_space<hbm>>, %arg4: memref<12288x128xf32, #tpu.memory_space<hbm>>, %arg5: memref<128xi32, #tpu.memory_space<vmem>>, %arg6: memref<128x128xf32, #tpu.memory_space<vmem>>, %arg7: memref<!tpu.dma_semaphore, #tpu.memory_space<semaphore_mem>>, %arg8: memref<!tpu.dma_semaphore, #tpu.memory_space<semaphore_mem>>) attributes {dimension_semantics = [#tpu.dimension_semantics<core_parallel>, #tpu.dimension_semantics<subcore_parallel>], iteration_bounds = array<i64: 2, 16>, scalar_prefetch = 0 : i64, scratch_operands = 4 : i64, tpu.core_type = #tpu.core_type<sc_vector_subcore>, window_params = [{transform_indices = #map}, {transform_indices = #map1}, {transform_indices = #map}]} {
    %mul3A = arith.constant 2 : i32
    %mul3A_0 = arith.muli %arg1, %mul3A : i32
    %add3A = arith.addi %mul3A_0, %arg0 : i32
    %mul3A_1 = arith.constant 128 : i32
    %mul3A_2 = arith.muli %add3A, %mul3A_1 : i32
    %dma_start3A = tpu.memref_slice %arg3[%mul3A_2] : memref<4096xi32, #tpu.memory_space<hbm>> -> memref<128xi32, #tpu.memory_space<hbm>>
    %dma_start3A_3 = tpu.memref_slice %arg3[%mul3A_2] : memref<4096xi32, #tpu.memory_space<hbm>> -> memref<128xi32, #tpu.memory_space<hbm>>
    tpu.enqueue_dma source(%dma_start3A_3 : memref<128xi32, #tpu.memory_space<hbm>>) target(%arg5 : memref<128xi32, #tpu.memory_space<vmem>>) target_semaphore(%arg7 : memref<!tpu.dma_semaphore, #tpu.memory_space<semaphore_mem>>)
    %dma_start3A_4 = arith.constant 0 : i32
    %dma_start3A_5 = tpu.memref_slice %arg2[%mul3A_2, %dma_start3A_4] : memref<4096x128xf32, #tpu.memory_space<hbm>> -> memref<128x128xf32, #tpu.memory_space<hbm>>
    %dma_start3A_6 = arith.constant 0 : i32
    %dma_start3A_7 = tpu.memref_slice %arg2[%mul3A_2, %dma_start3A_6] : memref<4096x128xf32, #tpu.memory_space<hbm>> -> memref<128x128xf32, #tpu.memory_space<hbm>>
    tpu.enqueue_dma source(%dma_start3A_7 : memref<128x128xf32, #tpu.memory_space<hbm>>) target(%arg6 : memref<128x128xf32, #tpu.memory_space<vmem>>) target_semaphore(%arg8 : memref<!tpu.dma_semaphore, #tpu.memory_space<semaphore_mem>>)
    %dma_wait3A = tpu.memref_slice %arg3[%mul3A_2] : memref<4096xi32, #tpu.memory_space<hbm>> -> memref<128xi32, #tpu.memory_space<hbm>>
    %dma_wait3A_8 = tpu.memref_slice %arg3[%mul3A_2] : memref<4096xi32, #tpu.memory_space<hbm>> -> memref<128xi32, #tpu.memory_space<hbm>>
    tpu.wait_dma2 semaphore(%arg7 : memref<!tpu.dma_semaphore, #tpu.memory_space<semaphore_mem>>) src(%dma_wait3A_8 : memref<128xi32, #tpu.memory_space<hbm>>) dst(%arg5 : memref<128xi32, #tpu.memory_space<vmem>>)
    %dma_wait3A_9 = arith.constant 0 : i32
    %dma_wait3A_10 = tpu.memref_slice %arg2[%mul3A_2, %dma_wait3A_9] : memref<4096x128xf32, #tpu.memory_space<hbm>> -> memref<128x128xf32, #tpu.memory_space<hbm>>
    %dma_wait3A_11 = arith.constant 0 : i32
    %dma_wait3A_12 = tpu.memref_slice %arg2[%mul3A_2, %dma_wait3A_11] : memref<4096x128xf32, #tpu.memory_space<hbm>> -> memref<128x128xf32, #tpu.memory_space<hbm>>
    tpu.wait_dma2 semaphore(%arg8 : memref<!tpu.dma_semaphore, #tpu.memory_space<semaphore_mem>>) src(%dma_wait3A_12 : memref<128x128xf32, #tpu.memory_space<hbm>>) dst(%arg6 : memref<128x128xf32, #tpu.memory_space<vmem>>)
    %dma_start3A_13 = arith.constant 0 : i32
    %dma_start3A_14 = arith.constant 0 : i32
    %dma_start3A_15 = tpu.memref_slice %arg4[%dma_start3A_13, %dma_start3A_14] : memref<12288x128xf32, #tpu.memory_space<hbm>> -> memref<12288x128xf32, #tpu.memory_space<hbm>>
    tpu.enqueue_indirect_dma source(%arg6 : memref<128x128xf32, #tpu.memory_space<vmem>>) target(%dma_start3A_15 : memref<12288x128xf32, #tpu.memory_space<hbm>>) offsets(%arg5 : memref<128xi32, #tpu.memory_space<vmem>>) semaphore(%arg7 : memref<!tpu.dma_semaphore, #tpu.memory_space<semaphore_mem>>)
    %dma_wait3A_16 = arith.constant 0 : i32
    %dma_wait3A_17 = arith.constant 0 : i32
    %dma_wait3A_18 = tpu.memref_slice %arg4[%dma_wait3A_16, %dma_wait3A_17] : memref<12288x128xf32, #tpu.memory_space<hbm>> -> memref<12288x128xf32, #tpu.memory_space<hbm>>
    tpu.wait_indirect_dma semaphore(%arg7 : memref<!tpu.dma_semaphore, #tpu.memory_space<semaphore_mem>>) src(%arg6 : memref<128x128xf32, #tpu.memory_space<vmem>>) dst(%dma_wait3A_18 : memref<12288x128xf32, #tpu.memory_space<hbm>>)
    return
  }
}

#map = affine_map<(d0, d1) -> (0, 0)>
#map1 = affine_map<(d0, d1) -> (0)>
module attributes {stable_mosaic.version = 14 : i64} {
  func.func @_collect_body(%arg0: i32, %arg1: i32, %arg2: memref<12288x128xf32, #tpu.memory_space<hbm>>, %arg3: memref<4096xi32, #tpu.memory_space<hbm>>, %arg4: memref<4096x128xf32, #tpu.memory_space<hbm>>, %arg5: memref<128xi32, #tpu.memory_space<vmem>>, %arg6: memref<128x128xf32, #tpu.memory_space<vmem>>, %arg7: memref<!tpu.dma_semaphore, #tpu.memory_space<semaphore_mem>>) attributes {dimension_semantics = [#tpu.dimension_semantics<core_parallel>, #tpu.dimension_semantics<subcore_parallel>], iteration_bounds = array<i64: 2, 16>, scalar_prefetch = 0 : i64, scratch_operands = 3 : i64, tpu.core_type = #tpu.core_type<sc_vector_subcore>, window_params = [{transform_indices = #map}, {transform_indices = #map1}, {transform_indices = #map}]} {
    %mul3A = arith.constant 2 : i32
    %mul3A_0 = arith.muli %arg1, %mul3A : i32
    %add3A = arith.addi %mul3A_0, %arg0 : i32
    %mul3A_1 = arith.constant 128 : i32
    %mul3A_2 = arith.muli %add3A, %mul3A_1 : i32
    "tpu.region"() ({
      %run_scoped3A = tpu.sem_alloc : memref<!tpu.dma_semaphore, #tpu.memory_space<semaphore_mem>>
      %dma_start3A_7 = tpu.memref_slice %arg3[%mul3A_2] : memref<4096xi32, #tpu.memory_space<hbm>> -> memref<128xi32, #tpu.memory_space<hbm>>
      %dma_start3A_8 = tpu.memref_slice %arg3[%mul3A_2] : memref<4096xi32, #tpu.memory_space<hbm>> -> memref<128xi32, #tpu.memory_space<hbm>>
      tpu.enqueue_dma source(%dma_start3A_8 : memref<128xi32, #tpu.memory_space<hbm>>) target(%arg5 : memref<128xi32, #tpu.memory_space<vmem>>) target_semaphore(%run_scoped3A : memref<!tpu.dma_semaphore, #tpu.memory_space<semaphore_mem>>)
      %dma_wait3A_9 = tpu.memref_slice %arg3[%mul3A_2] : memref<4096xi32, #tpu.memory_space<hbm>> -> memref<128xi32, #tpu.memory_space<hbm>>
      %dma_wait3A_10 = tpu.memref_slice %arg3[%mul3A_2] : memref<4096xi32, #tpu.memory_space<hbm>> -> memref<128xi32, #tpu.memory_space<hbm>>
      tpu.wait_dma2 semaphore(%run_scoped3A : memref<!tpu.dma_semaphore, #tpu.memory_space<semaphore_mem>>) src(%dma_wait3A_10 : memref<128xi32, #tpu.memory_space<hbm>>) dst(%arg5 : memref<128xi32, #tpu.memory_space<vmem>>)
      tpu.yield
    }) : () -> ()
    %dma_start3A = arith.constant 0 : i32
    %dma_start3A_3 = arith.constant 0 : i32
    %dma_start3A_4 = tpu.memref_slice %arg2[%dma_start3A, %dma_start3A_3] : memref<12288x128xf32, #tpu.memory_space<hbm>> -> memref<12288x128xf32, #tpu.memory_space<hbm>>
    tpu.enqueue_indirect_dma source(%dma_start3A_4 : memref<12288x128xf32, #tpu.memory_space<hbm>>) target(%arg6 : memref<128x128xf32, #tpu.memory_space<vmem>>) offsets(%arg5 : memref<128xi32, #tpu.memory_space<vmem>>) semaphore(%arg7 : memref<!tpu.dma_semaphore, #tpu.memory_space<semaphore_mem>>)
    %dma_wait3A = arith.constant 0 : i32
    %dma_wait3A_5 = arith.constant 0 : i32
    %dma_wait3A_6 = tpu.memref_slice %arg2[%dma_wait3A, %dma_wait3A_5] : memref<12288x128xf32, #tpu.memory_space<hbm>> -> memref<12288x128xf32, #tpu.memory_space<hbm>>
    tpu.wait_indirect_dma semaphore(%arg7 : memref<!tpu.dma_semaphore, #tpu.memory_space<semaphore_mem>>) src(%dma_wait3A_6 : memref<12288x128xf32, #tpu.memory_space<hbm>>) dst(%arg6 : memref<128x128xf32, #tpu.memory_space<vmem>>)
    "tpu.region"() ({
      %run_scoped3A = tpu.sem_alloc : memref<!tpu.dma_semaphore, #tpu.memory_space<semaphore_mem>>
      %dma_start3A_7 = arith.constant 0 : i32
      %dma_start3A_8 = tpu.memref_slice %arg4[%mul3A_2, %dma_start3A_7] : memref<4096x128xf32, #tpu.memory_space<hbm>> -> memref<128x128xf32, #tpu.memory_space<hbm>>
      %dma_start3A_9 = arith.constant 0 : i32
      %dma_start3A_10 = tpu.memref_slice %arg4[%mul3A_2, %dma_start3A_9] : memref<4096x128xf32, #tpu.memory_space<hbm>> -> memref<128x128xf32, #tpu.memory_space<hbm>>
      tpu.enqueue_dma source(%arg6 : memref<128x128xf32, #tpu.memory_space<vmem>>) target(%dma_start3A_10 : memref<128x128xf32, #tpu.memory_space<hbm>>) target_semaphore(%run_scoped3A : memref<!tpu.dma_semaphore, #tpu.memory_space<semaphore_mem>>)
      %dma_wait3A_11 = arith.constant 0 : i32
      %dma_wait3A_12 = tpu.memref_slice %arg4[%mul3A_2, %dma_wait3A_11] : memref<4096x128xf32, #tpu.memory_space<hbm>> -> memref<128x128xf32, #tpu.memory_space<hbm>>
      %dma_wait3A_13 = arith.constant 0 : i32
      %dma_wait3A_14 = tpu.memref_slice %arg4[%mul3A_2, %dma_wait3A_13] : memref<4096x128xf32, #tpu.memory_space<hbm>> -> memref<128x128xf32, #tpu.memory_space<hbm>>
      tpu.wait_dma2 semaphore(%run_scoped3A : memref<!tpu.dma_semaphore, #tpu.memory_space<semaphore_mem>>) src(%arg6 : memref<128x128xf32, #tpu.memory_space<vmem>>) dst(%dma_wait3A_14 : memref<128x128xf32, #tpu.memory_space<hbm>>)
      tpu.yield
    }) : () -> ()
    return
  }
}

module attributes {stable_mosaic.version = 14 : i64} {
  func.func @_gate_body(%arg0: i32, %arg1: memref<512x128xf32, #tpu.memory_space<vmem>>, %arg2: memref<64x128xf32, #tpu.memory_space<vmem>>, %arg3: memref<64x1xf32, #tpu.memory_space<vmem>>, %arg4: memref<8x1x512xi32, #tpu.memory_space<vmem>>, %arg5: memref<1x128xi32, #tpu.memory_space<vmem>>, %arg6: memref<8x512xi32, #tpu.memory_space<vmem>>, %arg7: memref<8x512xi32, #tpu.memory_space<vmem>>, %arg8: memref<64x1xf32, #tpu.memory_space<vmem>>, %arg9: memref<72x1xi32, #tpu.memory_space<vmem>>) attributes {dimension_semantics = [#tpu.dimension_semantics<arbitrary>], iteration_bounds = array<i64: 9>, scalar_prefetch = 0 : i64, scratch_operands = 4 : i64, tpu.core_type = #tpu.core_type<tc>, window_params = [{transform_indices = @transform_0, window_bounds = array<i64: 512, 128>}, {pipeline_mode = #tpu.pipeline_mode<synchronous>, transform_indices = @transform_1, window_bounds = array<i64: 64, 128>}, {pipeline_mode = #tpu.pipeline_mode<synchronous>, transform_indices = @transform_2, window_bounds = array<i64: 64, 1>}, {pipeline_mode = #tpu.pipeline_mode<synchronous>, transform_indices = @transform_3, window_bounds = array<i64: 8, 1, 512>}, {pipeline_mode = #tpu.pipeline_mode<synchronous>, transform_indices = @transform_4, window_bounds = array<i64: 1, 128>}]} {
    %eq3A = arith.constant 0 : i32
    %eq3A_0 = arith.cmpi eq, %arg0, %eq3A : i32
    %convert_element_type3A = arith.extui %eq3A_0 : i1 to i32
    %cond3A = arith.constant 0 : i32
    %cond3A_1 = arith.cmpi ne, %convert_element_type3A, %cond3A : i32
    scf.if %cond3A_1 {
      %broadcast_in_dim3A = arith.constant 0.000000e+00 : f32
      %broadcast_in_dim3A_11 = vector.broadcast %broadcast_in_dim3A : f32 to vector<64x1xf32>
      %swap3A = arith.constant 0 : index
      %swap3A_12 = arith.constant 0 : index
      %swap3A_13 = vector.load %arg8[%swap3A, %swap3A_12] : memref<64x1xf32, #tpu.memory_space<vmem>>, vector<64x1xf32>
      tpu.vector_store %arg8[%swap3A, %swap3A_12], %broadcast_in_dim3A_11 {strides = array<i32>} : memref<64x1xf32, #tpu.memory_space<vmem>>, vector<64x1xf32>,
    } else {
    }
    %lt3A = arith.constant 8 : i32
    %lt3A_2 = arith.cmpi slt, %arg0, %lt3A : i32
    %convert_element_type3A_3 = arith.extui %lt3A_2 : i1 to i32
    %cond3A_4 = arith.constant 0 : i32
    %cond3A_5 = arith.cmpi ne, %convert_element_type3A_3, %cond3A_4 : i32
    scf.if %cond3A_5 {
      %get3A = arith.constant 0 : index
      %get3A_11 = arith.constant 0 : index
      %get3A_12 = vector.load %arg1[%get3A, %get3A_11] : memref<512x128xf32, #tpu.memory_space<vmem>>, vector<512x128xf32>
      %get3A_13 = arith.constant 0 : index
      %get3A_14 = arith.constant 0 : index
      %get3A_15 = vector.load %arg2[%get3A_13, %get3A_14] : memref<64x128xf32, #tpu.memory_space<vmem>>, vector<64x128xf32>
      %dot_general3A = arith.constant dense<0.000000e+00> : vector<64x512xf32>
      %dot_general3A_16 = tpu.matmul %get3A_15, %get3A_12, %dot_general3A {dimension_numbers = #tpu.dot_dimension_numbers<[1], [1], [0], [0], [0, 0, 1, 0], [], []>, transpose_lhs_hint = false} : vector<64x128xf32>, vector<512x128xf32>, vector<64x512xf32> -> vector<64x512xf32>
      %get3A_17 = arith.constant 0 : index
      %get3A_18 = arith.constant 0 : index
      %get3A_19 = vector.load %arg3[%get3A_17, %get3A_18] : memref<64x1xf32, #tpu.memory_space<vmem>>, vector<64x1xf32>
      %add3A = vector.broadcast %get3A_19 : vector<64x1xf32> to vector<64x512xf32>
      %add3A_20 = arith.addf %dot_general3A_16, %add3A : vector<64x512xf32>
      %reduce_max3A = arith.constant dense<0xFF800000> : vector<512xf32>
      %reduce_max3A_21 = vector.multi_reduction <maximumf>, %add3A_20, %reduce_max3A [0] : vector<64x512xf32> to vector<512xf32>
      %broadcast_in_dim3A = vector.shape_cast %reduce_max3A_21 : vector<512xf32> to vector<1x512xf32>
      %iota3A = tpu.iota {dimensions = array<i32: 0>} : vector<64x512xi32>
      %eq3A_22 = vector.broadcast %broadcast_in_dim3A : vector<1x512xf32> to vector<64x512xf32>
      %eq3A_23 = arith.cmpf oeq, %add3A_20, %eq3A_22 : vector<64x512xf32>
      %jit3A = arith.constant 64 : i32
      %broadcast_in_dim3A_24 = vector.broadcast %jit3A : i32 to vector<64x512xi32>
      %select_n3A = arith.select %eq3A_23, %iota3A, %broadcast_in_dim3A_24 : vector<64x512xi1>, vector<64x512xi32>
      %reduce_min3A = arith.constant dense<2147483647> : vector<512xi32>
      %reduce_min3A_25 = vector.multi_reduction <minsi>, %select_n3A, %reduce_min3A [0] : vector<64x512xi32> to vector<512xi32>
      %broadcast_in_dim3A_26 = vector.shape_cast %reduce_min3A_25 : vector<512xi32> to vector<1x512xi32>
      %eq3A_27 = vector.broadcast %broadcast_in_dim3A_26 : vector<1x512xi32> to vector<64x512xi32>
      %eq3A_28 = arith.cmpi eq, %iota3A, %eq3A_27 : vector<64x512xi32>
      %convert_element_type3A_29 = arith.extui %eq3A_28 : vector<64x512xi1> to vector<64x512xi32>
      %convert_element_type3A_30 = arith.sitofp %convert_element_type3A_29 : vector<64x512xi32> to vector<64x512xf32>
      %swap3A = arith.index_cast %arg0 : i32 to index
      %swap3A_31 = arith.constant 0 : index
      %swap3A_32 = vector.load %arg6[%swap3A, %swap3A_31] : memref<8x512xi32, #tpu.memory_space<vmem>>, vector<1x512xi32>
      tpu.vector_store %arg6[%swap3A, %swap3A_31], %broadcast_in_dim3A_26 {strides = array<i32>} : memref<8x512xi32, #tpu.memory_space<vmem>>, vector<1x512xi32>,
      %iota3A_33 = tpu.iota {dimensions = array<i32: 0>} : vector<128x128xi32>
      %iota3A_34 = tpu.iota {dimensions = array<i32: 1>} : vector<128x128xi32>
      %le3A = arith.cmpi sle, %iota3A_33, %iota3A_34 : vector<128x128xi32>
      %convert_element_type3A_35 = arith.extui %le3A : vector<128x128xi1> to vector<128x128xi32>
      %convert_element_type3A_36 = arith.sitofp %convert_element_type3A_35 : vector<128x128xi32> to vector<128x128xf32>
      %get3A_37 = arith.constant 0 : index
      %get3A_38 = arith.constant 0 : index
      %get3A_39 = vector.load %arg8[%get3A_37, %get3A_38] : memref<64x1xf32, #tpu.memory_space<vmem>>, vector<64x1xf32>
      %slice3A = vector.extract_strided_slice %convert_element_type3A_30 {offsets = [0, 0], sizes = [64, 128], strides = [1, 1]} : vector<64x512xf32> to vector<64x128xf32>
      %dot_general3A_40 = arith.constant dense<0.000000e+00> : vector<64x128xf32>
      %dot_general3A_41 = tpu.matmul %slice3A, %convert_element_type3A_36, %dot_general3A_40 {dimension_numbers = #tpu.dot_dimension_numbers<[1], [0], [0], [1], [0, 0, 1, 1], [], []>, transpose_lhs_hint = false} : vector<64x128xf32>, vector<128x128xf32>, vector<64x128xf32> -> vector<64x128xf32>
      %mul3A = arith.mulf %dot_general3A_41, %slice3A : vector<64x128xf32>
      %reduce_sum3A = arith.constant dense<0.000000e+00> : vector<128xf32>
      %reduce_sum3A_42 = vector.multi_reduction <add>, %mul3A, %reduce_sum3A [0] : vector<64x128xf32> to vector<128xf32>
      %broadcast_in_dim3A_43 = vector.shape_cast %reduce_sum3A_42 : vector<128xf32> to vector<1x128xf32>
      %mul3A_44 = vector.broadcast %get3A_39 : vector<64x1xf32> to vector<64x128xf32>
      %mul3A_45 = arith.mulf %slice3A, %mul3A_44 : vector<64x128xf32>
      %reduce_sum3A_46 = arith.constant dense<0.000000e+00> : vector<128xf32>
      %reduce_sum3A_47 = vector.multi_reduction <add>, %mul3A_45, %reduce_sum3A_46 [0] : vector<64x128xf32> to vector<128xf32>
      %broadcast_in_dim3A_48 = vector.shape_cast %reduce_sum3A_47 : vector<128xf32> to vector<1x128xf32>
      %sub3A = arith.constant 1.000000e+00 : f32
      %sub3A_49 = vector.broadcast %sub3A : f32 to vector<1x128xf32>
      %sub3A_50 = arith.subf %broadcast_in_dim3A_43, %sub3A_49 : vector<1x128xf32>
      %add3A_51 = arith.addf %sub3A_50, %broadcast_in_dim3A_48 : vector<1x128xf32>
      %convert_element_type3A_52 = arith.fptosi %add3A_51 : vector<1x128xf32> to vector<1x128xi32>
      %reduce_sum3A_53 = arith.constant dense<0.000000e+00> : vector<64xf32>
      %reduce_sum3A_54 = vector.multi_reduction <add>, %slice3A, %reduce_sum3A_53 [1] : vector<64x128xf32> to vector<64xf32>
      %broadcast_in_dim3A_55 = vector.shape_cast %reduce_sum3A_54 : vector<64xf32> to vector<64x1xf32>
      %add3A_56 = arith.addf %get3A_39, %broadcast_in_dim3A_55 : vector<64x1xf32>
      %slice3A_57 = vector.extract_strided_slice %convert_element_type3A_30 {offsets = [0, 128], sizes = [64, 128], strides = [1, 1]} : vector<64x512xf32> to vector<64x128xf32>
      %dot_general3A_58 = arith.constant dense<0.000000e+00> : vector<64x128xf32>
      %dot_general3A_59 = tpu.matmul %slice3A_57, %convert_element_type3A_36, %dot_general3A_58 {dimension_numbers = #tpu.dot_dimension_numbers<[1], [0], [0], [1], [0, 0, 1, 1], [], []>, transpose_lhs_hint = false} : vector<64x128xf32>, vector<128x128xf32>, vector<64x128xf32> -> vector<64x128xf32>
      %mul3A_60 = arith.mulf %dot_general3A_59, %slice3A_57 : vector<64x128xf32>
      %reduce_sum3A_61 = arith.constant dense<0.000000e+00> : vector<128xf32>
      %reduce_sum3A_62 = vector.multi_reduction <add>, %mul3A_60, %reduce_sum3A_61 [0] : vector<64x128xf32> to vector<128xf32>
      %broadcast_in_dim3A_63 = vector.shape_cast %reduce_sum3A_62 : vector<128xf32> to vector<1x128xf32>
      %mul3A_64 = vector.broadcast %add3A_56 : vector<64x1xf32> to vector<64x128xf32>
      %mul3A_65 = arith.mulf %slice3A_57, %mul3A_64 : vector<64x128xf32>
      %reduce_sum3A_66 = arith.constant dense<0.000000e+00> : vector<128xf32>
      %reduce_sum3A_67 = vector.multi_reduction <add>, %mul3A_65, %reduce_sum3A_66 [0] : vector<64x128xf32> to vector<128xf32>
      %broadcast_in_dim3A_68 = vector.shape_cast %reduce_sum3A_67 : vector<128xf32> to vector<1x128xf32>
      %sub3A_69 = arith.constant 1.000000e+00 : f32
      %sub3A_70 = vector.broadcast %sub3A_69 : f32 to vector<1x128xf32>
      %sub3A_71 = arith.subf %broadcast_in_dim3A_63, %sub3A_70 : vector<1x128xf32>
      %add3A_72 = arith.addf %sub3A_71, %broadcast_in_dim3A_68 : vector<1x128xf32>
      %convert_element_type3A_73 = arith.fptosi %add3A_72 : vector<1x128xf32> to vector<1x128xi32>
      %reduce_sum3A_74 = arith.constant dense<0.000000e+00> : vector<64xf32>
      %reduce_sum3A_75 = vector.multi_reduction <add>, %slice3A_57, %reduce_sum3A_74 [1] : vector<64x128xf32> to vector<64xf32>
      %broadcast_in_dim3A_76 = vector.shape_cast %reduce_sum3A_75 : vector<64xf32> to vector<64x1xf32>
      %add3A_77 = arith.addf %add3A_56, %broadcast_in_dim3A_76 : vector<64x1xf32>
      %slice3A_78 = vector.extract_strided_slice %convert_element_type3A_30 {offsets = [0, 256], sizes = [64, 128], strides = [1, 1]} : vector<64x512xf32> to vector<64x128xf32>
      %dot_general3A_79 = arith.constant dense<0.000000e+00> : vector<64x128xf32>
      %dot_general3A_80 = tpu.matmul %slice3A_78, %convert_element_type3A_36, %dot_general3A_79 {dimension_numbers = #tpu.dot_dimension_numbers<[1], [0], [0], [1], [0, 0, 1, 1], [], []>, transpose_lhs_hint = false} : vector<64x128xf32>, vector<128x128xf32>, vector<64x128xf32> -> vector<64x128xf32>
      %mul3A_81 = arith.mulf %dot_general3A_80, %slice3A_78 : vector<64x128xf32>
      %reduce_sum3A_82 = arith.constant dense<0.000000e+00> : vector<128xf32>
      %reduce_sum3A_83 = vector.multi_reduction <add>, %mul3A_81, %reduce_sum3A_82 [0] : vector<64x128xf32> to vector<128xf32>
      %broadcast_in_dim3A_84 = vector.shape_cast %reduce_sum3A_83 : vector<128xf32> to vector<1x128xf32>
      %mul3A_85 = vector.broadcast %add3A_77 : vector<64x1xf32> to vector<64x128xf32>
      %mul3A_86 = arith.mulf %slice3A_78, %mul3A_85 : vector<64x128xf32>
      %reduce_sum3A_87 = arith.constant dense<0.000000e+00> : vector<128xf32>
      %reduce_sum3A_88 = vector.multi_reduction <add>, %mul3A_86, %reduce_sum3A_87 [0] : vector<64x128xf32> to vector<128xf32>
      %broadcast_in_dim3A_89 = vector.shape_cast %reduce_sum3A_88 : vector<128xf32> to vector<1x128xf32>
      %sub3A_90 = arith.constant 1.000000e+00 : f32
      %sub3A_91 = vector.broadcast %sub3A_90 : f32 to vector<1x128xf32>
      %sub3A_92 = arith.subf %broadcast_in_dim3A_84, %sub3A_91 : vector<1x128xf32>
      %add3A_93 = arith.addf %sub3A_92, %broadcast_in_dim3A_89 : vector<1x128xf32>
      %convert_element_type3A_94 = arith.fptosi %add3A_93 : vector<1x128xf32> to vector<1x128xi32>
      %reduce_sum3A_95 = arith.constant dense<0.000000e+00> : vector<64xf32>
      %reduce_sum3A_96 = vector.multi_reduction <add>, %slice3A_78, %reduce_sum3A_95 [1] : vector<64x128xf32> to vector<64xf32>
      %broadcast_in_dim3A_97 = vector.shape_cast %reduce_sum3A_96 : vector<64xf32> to vector<64x1xf32>
      %add3A_98 = arith.addf %add3A_77, %broadcast_in_dim3A_97 : vector<64x1xf32>
      %slice3A_99 = vector.extract_strided_slice %convert_element_type3A_30 {offsets = [0, 384], sizes = [64, 128], strides = [1, 1]} : vector<64x512xf32> to vector<64x128xf32>
      %dot_general3A_100 = arith.constant dense<0.000000e+00> : vector<64x128xf32>
      %dot_general3A_101 = tpu.matmul %slice3A_99, %convert_element_type3A_36, %dot_general3A_100 {dimension_numbers = #tpu.dot_dimension_numbers<[1], [0], [0], [1], [0, 0, 1, 1], [], []>, transpose_lhs_hint = false} : vector<64x128xf32>, vector<128x128xf32>, vector<64x128xf32> -> vector<64x128xf32>
      %mul3A_102 = arith.mulf %dot_general3A_101, %slice3A_99 : vector<64x128xf32>
      %reduce_sum3A_103 = arith.constant dense<0.000000e+00> : vector<128xf32>
      %reduce_sum3A_104 = vector.multi_reduction <add>, %mul3A_102, %reduce_sum3A_103 [0] : vector<64x128xf32> to vector<128xf32>
      %broadcast_in_dim3A_105 = vector.shape_cast %reduce_sum3A_104 : vector<128xf32> to vector<1x128xf32>
      %mul3A_106 = vector.broadcast %add3A_98 : vector<64x1xf32> to vector<64x128xf32>
      %mul3A_107 = arith.mulf %slice3A_99, %mul3A_106 : vector<64x128xf32>
      %reduce_sum3A_108 = arith.constant dense<0.000000e+00> : vector<128xf32>
      %reduce_sum3A_109 = vector.multi_reduction <add>, %mul3A_107, %reduce_sum3A_108 [0] : vector<64x128xf32> to vector<128xf32>
      %broadcast_in_dim3A_110 = vector.shape_cast %reduce_sum3A_109 : vector<128xf32> to vector<1x128xf32>
      %sub3A_111 = arith.constant 1.000000e+00 : f32
      %sub3A_112 = vector.broadcast %sub3A_111 : f32 to vector<1x128xf32>
      %sub3A_113 = arith.subf %broadcast_in_dim3A_105, %sub3A_112 : vector<1x128xf32>
      %add3A_114 = arith.addf %sub3A_113, %broadcast_in_dim3A_110 : vector<1x128xf32>
      %convert_element_type3A_115 = arith.fptosi %add3A_114 : vector<1x128xf32> to vector<1x128xi32>
      %reduce_sum3A_116 = arith.constant dense<0.000000e+00> : vector<64xf32>
      %reduce_sum3A_117 = vector.multi_reduction <add>, %slice3A_99, %reduce_sum3A_116 [1] : vector<64x128xf32> to vector<64xf32>
      %broadcast_in_dim3A_118 = vector.shape_cast %reduce_sum3A_117 : vector<64xf32> to vector<64x1xf32>
      %add3A_119 = arith.addf %add3A_98, %broadcast_in_dim3A_118 : vector<64x1xf32>
      %concatenate3A = tpu.concatenate %convert_element_type3A_52, %convert_element_type3A_73, %convert_element_type3A_94, %convert_element_type3A_115 in 1 : vector<1x128xi32>, vector<1x128xi32>, vector<1x128xi32>, vector<1x128xi32> -> vector<1x512xi32>
      %swap3A_120 = arith.index_cast %arg0 : i32 to index
      %swap3A_121 = arith.constant 0 : index
      %swap3A_122 = vector.load %arg7[%swap3A_120, %swap3A_121] : memref<8x512xi32, #tpu.memory_space<vmem>>, vector<1x512xi32>
      tpu.vector_store %arg7[%swap3A_120, %swap3A_121], %concatenate3A {strides = array<i32>} : memref<8x512xi32, #tpu.memory_space<vmem>>, vector<1x512xi32>,
      %swap3A_123 = arith.constant 0 : index
      %swap3A_124 = arith.constant 0 : index
      %swap3A_125 = vector.load %arg8[%swap3A_123, %swap3A_124] : memref<64x1xf32, #tpu.memory_space<vmem>>, vector<64x1xf32>
      tpu.vector_store %arg8[%swap3A_123, %swap3A_124], %add3A_119 {strides = array<i32>} : memref<64x1xf32, #tpu.memory_space<vmem>>, vector<64x1xf32>,
      %eq3A_126 = arith.constant 7 : i32
      %eq3A_127 = arith.cmpi eq, %arg0, %eq3A_126 : i32
      %convert_element_type3A_128 = arith.extui %eq3A_127 : i1 to i32
      %cond3A_129 = arith.constant 0 : i32
      %cond3A_130 = arith.cmpi ne, %convert_element_type3A_128, %cond3A_129 : i32
      scf.if %cond3A_130 {
        %convert_element_type3A_131 = arith.fptosi %add3A_119 : vector<64x1xf32> to vector<64x1xi32>
        %add3A_132 = arith.constant 127 : i32
        %add3A_133 = vector.broadcast %add3A_132 : i32 to vector<64x1xi32>
        %add3A_134 = arith.addi %convert_element_type3A_131, %add3A_133 : vector<64x1xi32>
        %jit3A_135 = arith.constant 128 : i32
        %div3A = vector.broadcast %jit3A_135 : i32 to vector<64x1xi32>
        %div3A_136 = arith.divsi %add3A_134, %div3A : vector<64x1xi32>
        %sign3A = arith.constant 0 : i32
        %sign3A_137 = vector.broadcast %sign3A : i32 to vector<64x1xi32>
        %sign3A_138 = arith.cmpi sgt, %add3A_134, %sign3A_137 : vector<64x1xi32>
        %sign3A_139 = arith.extui %sign3A_138 : vector<64x1xi1> to vector<64x1xi32>
        %sign3A_140 = arith.constant 0 : i32
        %sign3A_141 = vector.broadcast %sign3A_140 : i32 to vector<64x1xi32>
        %sign3A_142 = arith.cmpi slt, %add3A_134, %sign3A_141 : vector<64x1xi32>
        %sign3A_143 = arith.extui %sign3A_142 : vector<64x1xi1> to vector<64x1xi32>
        %sign3A_144 = arith.subi %sign3A_139, %sign3A_143 : vector<64x1xi32>
        %sign3A_145 = arith.constant 0 : i32
        %sign3A_146 = arith.cmpi sgt, %jit3A_135, %sign3A_145 : i32
        %sign3A_147 = arith.extui %sign3A_146 : i1 to i32
        %sign3A_148 = arith.constant 0 : i32
        %sign3A_149 = arith.cmpi slt, %jit3A_135, %sign3A_148 : i32
        %sign3A_150 = arith.extui %sign3A_149 : i1 to i32
        %sign3A_151 = arith.subi %sign3A_147, %sign3A_150 : i32
        %ne3A = vector.broadcast %sign3A_151 : i32 to vector<64x1xi32>
        %ne3A_152 = arith.cmpi ne, %sign3A_144, %ne3A : vector<64x1xi32>
        %rem3A = vector.broadcast %jit3A_135 : i32 to vector<64x1xi32>
        %rem3A_153 = arith.remsi %add3A_134, %rem3A : vector<64x1xi32>
        %ne3A_154 = arith.constant 0 : i32
        %ne3A_155 = vector.broadcast %ne3A_154 : i32 to vector<64x1xi32>
        %ne3A_156 = arith.cmpi ne, %rem3A_153, %ne3A_155 : vector<64x1xi32>
        %and3A = arith.andi %ne3A_152, %ne3A_156 : vector<64x1xi1>
        %sub3A_157 = arith.constant 1 : i32
        %sub3A_158 = vector.broadcast %sub3A_157 : i32 to vector<64x1xi32>
        %sub3A_159 = arith.subi %div3A_136, %sub3A_158 : vector<64x1xi32>
        %select_n3A_160 = arith.select %and3A, %sub3A_159, %div3A_136 : vector<64x1xi1>, vector<64x1xi32>
        %mul3A_161 = arith.constant 128 : i32
        %mul3A_162 = vector.broadcast %mul3A_161 : i32 to vector<64x1xi32>
        %mul3A_163 = arith.muli %select_n3A_160, %mul3A_162 : vector<64x1xi32>
        %convert_element_type3A_164 = arith.sitofp %mul3A_163 : vector<64x1xi32> to vector<64x1xf32>
        %iota3A_165 = tpu.iota {dimensions = array<i32: 0>} : vector<72x64xi32>
        %iota3A_166 = tpu.iota {dimensions = array<i32: 1>} : vector<72x64xi32>
        %lt3A_167 = arith.cmpi slt, %iota3A_166, %iota3A_165 : vector<72x64xi32>
        %convert_element_type3A_168 = arith.extui %lt3A_167 : vector<72x64xi1> to vector<72x64xi32>
        %convert_element_type3A_169 = arith.sitofp %convert_element_type3A_168 : vector<72x64xi32> to vector<72x64xf32>
        %dot_general3A_170 = arith.constant dense<0.000000e+00> : vector<72x1xf32>
        %dot_general3A_171 = tpu.matmul %convert_element_type3A_169, %convert_element_type3A_164, %dot_general3A_170 {dimension_numbers = #tpu.dot_dimension_numbers<[1], [0], [0], [1], [0, 0, 1, 1], [], []>, transpose_lhs_hint = false} : vector<72x64xf32>, vector<64x1xf32>, vector<72x1xf32> -> vector<72x1xf32>
        %convert_element_type3A_172 = arith.fptosi %dot_general3A_171 : vector<72x1xf32> to vector<72x1xi32>
        %swap3A_173 = arith.constant 0 : index
        %swap3A_174 = arith.constant 0 : index
        %swap3A_175 = vector.load %arg9[%swap3A_173, %swap3A_174] : memref<72x1xi32, #tpu.memory_space<vmem>>, vector<72x1xi32>
        tpu.vector_store %arg9[%swap3A_173, %swap3A_174], %convert_element_type3A_172 {strides = array<i32>} : memref<72x1xi32, #tpu.memory_space<vmem>>, vector<72x1xi32>,
        %get3A_176 = arith.constant 0 : index
        %get3A_177 = arith.constant 0 : index
        %get3A_178 = vector.load %arg9[%get3A_176, %get3A_177] : memref<72x1xi32, #tpu.memory_space<vmem>>, vector<64x1xi32>
        %get3A_179 = arith.constant 1 : index
        %get3A_180 = arith.constant 0 : index
        %get3A_181 = vector.load %arg9[%get3A_179, %get3A_180] : memref<72x1xi32, #tpu.memory_space<vmem>>, vector<64x1xi32>
        %iota3A_182 = tpu.iota {dimensions = array<i32: 1>} : vector<64x128xi32>
        %mul3A_183 = arith.constant 128 : i32
        %mul3A_184 = vector.broadcast %mul3A_183 : i32 to vector<64x128xi32>
        %mul3A_185 = arith.muli %iota3A_182, %mul3A_184 : vector<64x128xi32>
        %ge3A = vector.broadcast %get3A_178 : vector<64x1xi32> to vector<64x128xi32>
        %ge3A_186 = arith.cmpi sge, %mul3A_185, %ge3A : vector<64x128xi32>
        %lt3A_187 = vector.broadcast %get3A_181 : vector<64x1xi32> to vector<64x128xi32>
        %lt3A_188 = arith.cmpi slt, %mul3A_185, %lt3A_187 : vector<64x128xi32>
        %and3A_189 = arith.andi %ge3A_186, %lt3A_188 : vector<64x128xi1>
        %iota3A_190 = tpu.iota {dimensions = array<i32: 0>} : vector<64x128xi32>
        %jit3A_191 = arith.constant 0 : i32
        %broadcast_in_dim3A_192 = vector.broadcast %jit3A_191 : i32 to vector<64x128xi32>
        %select_n3A_193 = arith.select %and3A_189, %iota3A_190, %broadcast_in_dim3A_192 : vector<64x128xi1>, vector<64x128xi32>
        %reduce_sum3A_194 = arith.constant dense<0> : vector<128xi32>
        %reduce_sum3A_195 = vector.multi_reduction <add>, %select_n3A_193, %reduce_sum3A_194 [0] : vector<64x128xi32> to vector<128xi32>
        %broadcast_in_dim3A_196 = vector.shape_cast %reduce_sum3A_195 : vector<128xi32> to vector<1x128xi32>
        %swap3A_197 = arith.constant 0 : index
        %swap3A_198 = arith.constant 0 : index
        %swap3A_199 = vector.load %arg5[%swap3A_197, %swap3A_198] : memref<1x128xi32, #tpu.memory_space<vmem>>, vector<1x128xi32>
        tpu.vector_store %arg5[%swap3A_197, %swap3A_198], %broadcast_in_dim3A_196 {strides = array<i32>} : memref<1x128xi32, #tpu.memory_space<vmem>>, vector<1x128xi32>,
      } else {
      }
    } else {
    }
    %eq3A_6 = arith.constant 8 : i32
    %eq3A_7 = arith.cmpi eq, %arg0, %eq3A_6 : i32
    %convert_element_type3A_8 = arith.extui %eq3A_7 : i1 to i32
    %cond3A_9 = arith.constant 0 : i32
    %cond3A_10 = arith.cmpi ne, %convert_element_type3A_8, %cond3A_9 : i32
    scf.if %cond3A_10 {
      %iota3A = tpu.iota {dimensions = array<i32: 0>} : vector<64x512xi32>
      %get3A = arith.constant 0 : index
      %get3A_11 = arith.constant 0 : index
      %get3A_12 = vector.load %arg9[%get3A, %get3A_11] : memref<72x1xi32, #tpu.memory_space<vmem>>, vector<64x1xi32>
      %convert_element_type3A_13 = arith.sitofp %get3A_12 : vector<64x1xi32> to vector<64x1xf32>
      %get3A_14 = arith.constant 0 : index
      %get3A_15 = arith.constant 0 : index
      %get3A_16 = vector.load %arg6[%get3A_14, %get3A_15] : memref<8x512xi32, #tpu.memory_space<vmem>>, vector<1x512xi32>
      %eq3A_17 = vector.broadcast %get3A_16 : vector<1x512xi32> to vector<64x512xi32>
      %eq3A_18 = arith.cmpi eq, %iota3A, %eq3A_17 : vector<64x512xi32>
      %jit3A = arith.constant 0.000000e+00 : f32
      %broadcast_in_dim3A = vector.shape_cast %convert_element_type3A_13 : vector<64x1xf32> to vector<64x1xf32>
      %broadcast_in_dim3A_19 = vector.broadcast %broadcast_in_dim3A : vector<64x1xf32> to vector<64x512xf32>
      %broadcast_in_dim3A_20 = vector.broadcast %jit3A : f32 to vector<64x512xf32>
      %select_n3A = arith.select %eq3A_18, %broadcast_in_dim3A_19, %broadcast_in_dim3A_20 : vector<64x512xi1>, vector<64x512xf32>
      %reduce_sum3A = arith.constant dense<0.000000e+00> : vector<512xf32>
      %reduce_sum3A_21 = vector.multi_reduction <add>, %select_n3A, %reduce_sum3A [0] : vector<64x512xf32> to vector<512xf32>
      %broadcast_in_dim3A_22 = vector.shape_cast %reduce_sum3A_21 : vector<512xf32> to vector<1x512xf32>
      %convert_element_type3A_23 = arith.fptosi %broadcast_in_dim3A_22 : vector<1x512xf32> to vector<1x512xi32>
      %get3A_24 = arith.constant 0 : index
      %get3A_25 = arith.constant 0 : index
      %get3A_26 = vector.load %arg7[%get3A_24, %get3A_25] : memref<8x512xi32, #tpu.memory_space<vmem>>, vector<1x512xi32>
      %add3A = arith.addi %convert_element_type3A_23, %get3A_26 : vector<1x512xi32>
      %swap3A = arith.constant 0 : index
      %swap3A_27 = arith.constant 0 : index
      %swap3A_28 = arith.constant 0 : index
      %swap3A_29 = vector.load %arg4[%swap3A, %swap3A_27, %swap3A_28] : memref<8x1x512xi32, #tpu.memory_space<vmem>>, vector<1x1x512xi32>
      %swap3A_30 = vector.shape_cast %swap3A_29 : vector<1x1x512xi32> to vector<1x512xi32>
      %swap3A_31 = vector.shape_cast %add3A : vector<1x512xi32> to vector<1x1x512xi32>
      tpu.vector_store %arg4[%swap3A, %swap3A_27, %swap3A_28], %swap3A_31 {strides = array<i32>} : memref<8x1x512xi32, #tpu.memory_space<vmem>>, vector<1x1x512xi32>,
      %get3A_32 = arith.constant 1 : index
      %get3A_33 = arith.constant 0 : index
      %get3A_34 = vector.load %arg6[%get3A_32, %get3A_33] : memref<8x512xi32, #tpu.memory_space<vmem>>, vector<1x512xi32>
      %eq3A_35 = vector.broadcast %get3A_34 : vector<1x512xi32> to vector<64x512xi32>
      %eq3A_36 = arith.cmpi eq, %iota3A, %eq3A_35 : vector<64x512xi32>
      %jit3A_37 = arith.constant 0.000000e+00 : f32
      %broadcast_in_dim3A_38 = vector.shape_cast %convert_element_type3A_13 : vector<64x1xf32> to vector<64x1xf32>
      %broadcast_in_dim3A_39 = vector.broadcast %broadcast_in_dim3A_38 : vector<64x1xf32> to vector<64x512xf32>
      %broadcast_in_dim3A_40 = vector.broadcast %jit3A_37 : f32 to vector<64x512xf32>
      %select_n3A_41 = arith.select %eq3A_36, %broadcast_in_dim3A_39, %broadcast_in_dim3A_40 : vector<64x512xi1>, vector<64x512xf32>
      %reduce_sum3A_42 = arith.constant dense<0.000000e+00> : vector<512xf32>
      %reduce_sum3A_43 = vector.multi_reduction <add>, %select_n3A_41, %reduce_sum3A_42 [0] : vector<64x512xf32> to vector<512xf32>
      %broadcast_in_dim3A_44 = vector.shape_cast %reduce_sum3A_43 : vector<512xf32> to vector<1x512xf32>
      %convert_element_type3A_45 = arith.fptosi %broadcast_in_dim3A_44 : vector<1x512xf32> to vector<1x512xi32>
      %get3A_46 = arith.constant 1 : index
      %get3A_47 = arith.constant 0 : index
      %get3A_48 = vector.load %arg7[%get3A_46, %get3A_47] : memref<8x512xi32, #tpu.memory_space<vmem>>, vector<1x512xi32>
      %add3A_49 = arith.addi %convert_element_type3A_45, %get3A_48 : vector<1x512xi32>
      %swap3A_50 = arith.constant 1 : index
      %swap3A_51 = arith.constant 0 : index
      %swap3A_52 = arith.constant 0 : index
      %swap3A_53 = vector.load %arg4[%swap3A_50, %swap3A_51, %swap3A_52] : memref<8x1x512xi32, #tpu.memory_space<vmem>>, vector<1x1x512xi32>
      %swap3A_54 = vector.shape_cast %swap3A_53 : vector<1x1x512xi32> to vector<1x512xi32>
      %swap3A_55 = vector.shape_cast %add3A_49 : vector<1x512xi32> to vector<1x1x512xi32>
      tpu.vector_store %arg4[%swap3A_50, %swap3A_51, %swap3A_52], %swap3A_55 {strides = array<i32>} : memref<8x1x512xi32, #tpu.memory_space<vmem>>, vector<1x1x512xi32>,
      %get3A_56 = arith.constant 2 : index
      %get3A_57 = arith.constant 0 : index
      %get3A_58 = vector.load %arg6[%get3A_56, %get3A_57] : memref<8x512xi32, #tpu.memory_space<vmem>>, vector<1x512xi32>
      %eq3A_59 = vector.broadcast %get3A_58 : vector<1x512xi32> to vector<64x512xi32>
      %eq3A_60 = arith.cmpi eq, %iota3A, %eq3A_59 : vector<64x512xi32>
      %jit3A_61 = arith.constant 0.000000e+00 : f32
      %broadcast_in_dim3A_62 = vector.shape_cast %convert_element_type3A_13 : vector<64x1xf32> to vector<64x1xf32>
      %broadcast_in_dim3A_63 = vector.broadcast %broadcast_in_dim3A_62 : vector<64x1xf32> to vector<64x512xf32>
      %broadcast_in_dim3A_64 = vector.broadcast %jit3A_61 : f32 to vector<64x512xf32>
      %select_n3A_65 = arith.select %eq3A_60, %broadcast_in_dim3A_63, %broadcast_in_dim3A_64 : vector<64x512xi1>, vector<64x512xf32>
      %reduce_sum3A_66 = arith.constant dense<0.000000e+00> : vector<512xf32>
      %reduce_sum3A_67 = vector.multi_reduction <add>, %select_n3A_65, %reduce_sum3A_66 [0] : vector<64x512xf32> to vector<512xf32>
      %broadcast_in_dim3A_68 = vector.shape_cast %reduce_sum3A_67 : vector<512xf32> to vector<1x512xf32>
      %convert_element_type3A_69 = arith.fptosi %broadcast_in_dim3A_68 : vector<1x512xf32> to vector<1x512xi32>
      %get3A_70 = arith.constant 2 : index
      %get3A_71 = arith.constant 0 : index
      %get3A_72 = vector.load %arg7[%get3A_70, %get3A_71] : memref<8x512xi32, #tpu.memory_space<vmem>>, vector<1x512xi32>
      %add3A_73 = arith.addi %convert_element_type3A_69, %get3A_72 : vector<1x512xi32>
      %swap3A_74 = arith.constant 2 : index
      %swap3A_75 = arith.constant 0 : index
      %swap3A_76 = arith.constant 0 : index
      %swap3A_77 = vector.load %arg4[%swap3A_74, %swap3A_75, %swap3A_76] : memref<8x1x512xi32, #tpu.memory_space<vmem>>, vector<1x1x512xi32>
      %swap3A_78 = vector.shape_cast %swap3A_77 : vector<1x1x512xi32> to vector<1x512xi32>
      %swap3A_79 = vector.shape_cast %add3A_73 : vector<1x512xi32> to vector<1x1x512xi32>
      tpu.vector_store %arg4[%swap3A_74, %swap3A_75, %swap3A_76], %swap3A_79 {strides = array<i32>} : memref<8x1x512xi32, #tpu.memory_space<vmem>>, vector<1x1x512xi32>,
      %get3A_80 = arith.constant 3 : index
      %get3A_81 = arith.constant 0 : index
      %get3A_82 = vector.load %arg6[%get3A_80, %get3A_81] : memref<8x512xi32, #tpu.memory_space<vmem>>, vector<1x512xi32>
      %eq3A_83 = vector.broadcast %get3A_82 : vector<1x512xi32> to vector<64x512xi32>
      %eq3A_84 = arith.cmpi eq, %iota3A, %eq3A_83 : vector<64x512xi32>
      %jit3A_85 = arith.constant 0.000000e+00 : f32
      %broadcast_in_dim3A_86 = vector.shape_cast %convert_element_type3A_13 : vector<64x1xf32> to vector<64x1xf32>
      %broadcast_in_dim3A_87 = vector.broadcast %broadcast_in_dim3A_86 : vector<64x1xf32> to vector<64x512xf32>
      %broadcast_in_dim3A_88 = vector.broadcast %jit3A_85 : f32 to vector<64x512xf32>
      %select_n3A_89 = arith.select %eq3A_84, %broadcast_in_dim3A_87, %broadcast_in_dim3A_88 : vector<64x512xi1>, vector<64x512xf32>
      %reduce_sum3A_90 = arith.constant dense<0.000000e+00> : vector<512xf32>
      %reduce_sum3A_91 = vector.multi_reduction <add>, %select_n3A_89, %reduce_sum3A_90 [0] : vector<64x512xf32> to vector<512xf32>
      %broadcast_in_dim3A_92 = vector.shape_cast %reduce_sum3A_91 : vector<512xf32> to vector<1x512xf32>
      %convert_element_type3A_93 = arith.fptosi %broadcast_in_dim3A_92 : vector<1x512xf32> to vector<1x512xi32>
      %get3A_94 = arith.constant 3 : index
      %get3A_95 = arith.constant 0 : index
      %get3A_96 = vector.load %arg7[%get3A_94, %get3A_95] : memref<8x512xi32, #tpu.memory_space<vmem>>, vector<1x512xi32>
      %add3A_97 = arith.addi %convert_element_type3A_93, %get3A_96 : vector<1x512xi32>
      %swap3A_98 = arith.constant 3 : index
      %swap3A_99 = arith.constant 0 : index
      %swap3A_100 = arith.constant 0 : index
      %swap3A_101 = vector.load %arg4[%swap3A_98, %swap3A_99, %swap3A_100] : memref<8x1x512xi32, #tpu.memory_space<vmem>>, vector<1x1x512xi32>
      %swap3A_102 = vector.shape_cast %swap3A_101 : vector<1x1x512xi32> to vector<1x512xi32>
      %swap3A_103 = vector.shape_cast %add3A_97 : vector<1x512xi32> to vector<1x1x512xi32>
      tpu.vector_store %arg4[%swap3A_98, %swap3A_99, %swap3A_100], %swap3A_103 {strides = array<i32>} : memref<8x1x512xi32, #tpu.memory_space<vmem>>, vector<1x1x512xi32>,
      %get3A_104 = arith.constant 4 : index
      %get3A_105 = arith.constant 0 : index
      %get3A_106 = vector.load %arg6[%get3A_104, %get3A_105] : memref<8x512xi32, #tpu.memory_space<vmem>>, vector<1x512xi32>
      %eq3A_107 = vector.broadcast %get3A_106 : vector<1x512xi32> to vector<64x512xi32>
      %eq3A_108 = arith.cmpi eq, %iota3A, %eq3A_107 : vector<64x512xi32>
      %jit3A_109 = arith.constant 0.000000e+00 : f32
      %broadcast_in_dim3A_110 = vector.shape_cast %convert_element_type3A_13 : vector<64x1xf32> to vector<64x1xf32>
      %broadcast_in_dim3A_111 = vector.broadcast %broadcast_in_dim3A_110 : vector<64x1xf32> to vector<64x512xf32>
      %broadcast_in_dim3A_112 = vector.broadcast %jit3A_109 : f32 to vector<64x512xf32>
      %select_n3A_113 = arith.select %eq3A_108, %broadcast_in_dim3A_111, %broadcast_in_dim3A_112 : vector<64x512xi1>, vector<64x512xf32>
      %reduce_sum3A_114 = arith.constant dense<0.000000e+00> : vector<512xf32>
      %reduce_sum3A_115 = vector.multi_reduction <add>, %select_n3A_113, %reduce_sum3A_114 [0] : vector<64x512xf32> to vector<512xf32>
      %broadcast_in_dim3A_116 = vector.shape_cast %reduce_sum3A_115 : vector<512xf32> to vector<1x512xf32>
      %convert_element_type3A_117 = arith.fptosi %broadcast_in_dim3A_116 : vector<1x512xf32> to vector<1x512xi32>
      %get3A_118 = arith.constant 4 : index
      %get3A_119 = arith.constant 0 : index
      %get3A_120 = vector.load %arg7[%get3A_118, %get3A_119] : memref<8x512xi32, #tpu.memory_space<vmem>>, vector<1x512xi32>
      %add3A_121 = arith.addi %convert_element_type3A_117, %get3A_120 : vector<1x512xi32>
      %swap3A_122 = arith.constant 4 : index
      %swap3A_123 = arith.constant 0 : index
      %swap3A_124 = arith.constant 0 : index
      %swap3A_125 = vector.load %arg4[%swap3A_122, %swap3A_123, %swap3A_124] : memref<8x1x512xi32, #tpu.memory_space<vmem>>, vector<1x1x512xi32>
      %swap3A_126 = vector.shape_cast %swap3A_125 : vector<1x1x512xi32> to vector<1x512xi32>
      %swap3A_127 = vector.shape_cast %add3A_121 : vector<1x512xi32> to vector<1x1x512xi32>
      tpu.vector_store %arg4[%swap3A_122, %swap3A_123, %swap3A_124], %swap3A_127 {strides = array<i32>} : memref<8x1x512xi32, #tpu.memory_space<vmem>>, vector<1x1x512xi32>,
      %get3A_128 = arith.constant 5 : index
      %get3A_129 = arith.constant 0 : index
      %get3A_130 = vector.load %arg6[%get3A_128, %get3A_129] : memref<8x512xi32, #tpu.memory_space<vmem>>, vector<1x512xi32>
      %eq3A_131 = vector.broadcast %get3A_130 : vector<1x512xi32> to vector<64x512xi32>
      %eq3A_132 = arith.cmpi eq, %iota3A, %eq3A_131 : vector<64x512xi32>
      %jit3A_133 = arith.constant 0.000000e+00 : f32
      %broadcast_in_dim3A_134 = vector.shape_cast %convert_element_type3A_13 : vector<64x1xf32> to vector<64x1xf32>
      %broadcast_in_dim3A_135 = vector.broadcast %broadcast_in_dim3A_134 : vector<64x1xf32> to vector<64x512xf32>
      %broadcast_in_dim3A_136 = vector.broadcast %jit3A_133 : f32 to vector<64x512xf32>
      %select_n3A_137 = arith.select %eq3A_132, %broadcast_in_dim3A_135, %broadcast_in_dim3A_136 : vector<64x512xi1>, vector<64x512xf32>
      %reduce_sum3A_138 = arith.constant dense<0.000000e+00> : vector<512xf32>
      %reduce_sum3A_139 = vector.multi_reduction <add>, %select_n3A_137, %reduce_sum3A_138 [0] : vector<64x512xf32> to vector<512xf32>
      %broadcast_in_dim3A_140 = vector.shape_cast %reduce_sum3A_139 : vector<512xf32> to vector<1x512xf32>
      %convert_element_type3A_141 = arith.fptosi %broadcast_in_dim3A_140 : vector<1x512xf32> to vector<1x512xi32>
      %get3A_142 = arith.constant 5 : index
      %get3A_143 = arith.constant 0 : index
      %get3A_144 = vector.load %arg7[%get3A_142, %get3A_143] : memref<8x512xi32, #tpu.memory_space<vmem>>, vector<1x512xi32>
      %add3A_145 = arith.addi %convert_element_type3A_141, %get3A_144 : vector<1x512xi32>
      %swap3A_146 = arith.constant 5 : index
      %swap3A_147 = arith.constant 0 : index
      %swap3A_148 = arith.constant 0 : index
      %swap3A_149 = vector.load %arg4[%swap3A_146, %swap3A_147, %swap3A_148] : memref<8x1x512xi32, #tpu.memory_space<vmem>>, vector<1x1x512xi32>
      %swap3A_150 = vector.shape_cast %swap3A_149 : vector<1x1x512xi32> to vector<1x512xi32>
      %swap3A_151 = vector.shape_cast %add3A_145 : vector<1x512xi32> to vector<1x1x512xi32>
      tpu.vector_store %arg4[%swap3A_146, %swap3A_147, %swap3A_148], %swap3A_151 {strides = array<i32>} : memref<8x1x512xi32, #tpu.memory_space<vmem>>, vector<1x1x512xi32>,
      %get3A_152 = arith.constant 6 : index
      %get3A_153 = arith.constant 0 : index
      %get3A_154 = vector.load %arg6[%get3A_152, %get3A_153] : memref<8x512xi32, #tpu.memory_space<vmem>>, vector<1x512xi32>
      %eq3A_155 = vector.broadcast %get3A_154 : vector<1x512xi32> to vector<64x512xi32>
      %eq3A_156 = arith.cmpi eq, %iota3A, %eq3A_155 : vector<64x512xi32>
      %jit3A_157 = arith.constant 0.000000e+00 : f32
      %broadcast_in_dim3A_158 = vector.shape_cast %convert_element_type3A_13 : vector<64x1xf32> to vector<64x1xf32>
      %broadcast_in_dim3A_159 = vector.broadcast %broadcast_in_dim3A_158 : vector<64x1xf32> to vector<64x512xf32>
      %broadcast_in_dim3A_160 = vector.broadcast %jit3A_157 : f32 to vector<64x512xf32>
      %select_n3A_161 = arith.select %eq3A_156, %broadcast_in_dim3A_159, %broadcast_in_dim3A_160 : vector<64x512xi1>, vector<64x512xf32>
      %reduce_sum3A_162 = arith.constant dense<0.000000e+00> : vector<512xf32>
      %reduce_sum3A_163 = vector.multi_reduction <add>, %select_n3A_161, %reduce_sum3A_162 [0] : vector<64x512xf32> to vector<512xf32>
      %broadcast_in_dim3A_164 = vector.shape_cast %reduce_sum3A_163 : vector<512xf32> to vector<1x512xf32>
      %convert_element_type3A_165 = arith.fptosi %broadcast_in_dim3A_164 : vector<1x512xf32> to vector<1x512xi32>
      %get3A_166 = arith.constant 6 : index
      %get3A_167 = arith.constant 0 : index
      %get3A_168 = vector.load %arg7[%get3A_166, %get3A_167] : memref<8x512xi32, #tpu.memory_space<vmem>>, vector<1x512xi32>
      %add3A_169 = arith.addi %convert_element_type3A_165, %get3A_168 : vector<1x512xi32>
      %swap3A_170 = arith.constant 6 : index
      %swap3A_171 = arith.constant 0 : index
      %swap3A_172 = arith.constant 0 : index
      %swap3A_173 = vector.load %arg4[%swap3A_170, %swap3A_171, %swap3A_172] : memref<8x1x512xi32, #tpu.memory_space<vmem>>, vector<1x1x512xi32>
      %swap3A_174 = vector.shape_cast %swap3A_173 : vector<1x1x512xi32> to vector<1x512xi32>
      %swap3A_175 = vector.shape_cast %add3A_169 : vector<1x512xi32> to vector<1x1x512xi32>
      tpu.vector_store %arg4[%swap3A_170, %swap3A_171, %swap3A_172], %swap3A_175 {strides = array<i32>} : memref<8x1x512xi32, #tpu.memory_space<vmem>>, vector<1x1x512xi32>,
      %get3A_176 = arith.constant 7 : index
      %get3A_177 = arith.constant 0 : index
      %get3A_178 = vector.load %arg6[%get3A_176, %get3A_177] : memref<8x512xi32, #tpu.memory_space<vmem>>, vector<1x512xi32>
      %eq3A_179 = vector.broadcast %get3A_178 : vector<1x512xi32> to vector<64x512xi32>
      %eq3A_180 = arith.cmpi eq, %iota3A, %eq3A_179 : vector<64x512xi32>
      %jit3A_181 = arith.constant 0.000000e+00 : f32
      %broadcast_in_dim3A_182 = vector.shape_cast %convert_element_type3A_13 : vector<64x1xf32> to vector<64x1xf32>
      %broadcast_in_dim3A_183 = vector.broadcast %broadcast_in_dim3A_182 : vector<64x1xf32> to vector<64x512xf32>
      %broadcast_in_dim3A_184 = vector.broadcast %jit3A_181 : f32 to vector<64x512xf32>
      %select_n3A_185 = arith.select %eq3A_180, %broadcast_in_dim3A_183, %broadcast_in_dim3A_184 : vector<64x512xi1>, vector<64x512xf32>
      %reduce_sum3A_186 = arith.constant dense<0.000000e+00> : vector<512xf32>
      %reduce_sum3A_187 = vector.multi_reduction <add>, %select_n3A_185, %reduce_sum3A_186 [0] : vector<64x512xf32> to vector<512xf32>
      %broadcast_in_dim3A_188 = vector.shape_cast %reduce_sum3A_187 : vector<512xf32> to vector<1x512xf32>
      %convert_element_type3A_189 = arith.fptosi %broadcast_in_dim3A_188 : vector<1x512xf32> to vector<1x512xi32>
      %get3A_190 = arith.constant 7 : index
      %get3A_191 = arith.constant 0 : index
      %get3A_192 = vector.load %arg7[%get3A_190, %get3A_191] : memref<8x512xi32, #tpu.memory_space<vmem>>, vector<1x512xi32>
      %add3A_193 = arith.addi %convert_element_type3A_189, %get3A_192 : vector<1x512xi32>
      %swap3A_194 = arith.constant 7 : index
      %swap3A_195 = arith.constant 0 : index
      %swap3A_196 = arith.constant 0 : index
      %swap3A_197 = vector.load %arg4[%swap3A_194, %swap3A_195, %swap3A_196] : memref<8x1x512xi32, #tpu.memory_space<vmem>>, vector<1x1x512xi32>
      %swap3A_198 = vector.shape_cast %swap3A_197 : vector<1x1x512xi32> to vector<1x512xi32>
      %swap3A_199 = vector.shape_cast %add3A_193 : vector<1x512xi32> to vector<1x1x512xi32>
      tpu.vector_store %arg4[%swap3A_194, %swap3A_195, %swap3A_196], %swap3A_199 {strides = array<i32>} : memref<8x1x512xi32, #tpu.memory_space<vmem>>, vector<1x1x512xi32>,
    } else {
    }
    return
  }
  func.func @transform_0(%arg0: i32) -> (i32, i32) {
    %jit3A = arith.constant 8 : i32
    %eq3A = arith.constant 0 : i32
    %eq3A_0 = arith.cmpi eq, %jit3A, %eq3A : i32
    %jit3A_1 = arith.constant 1 : i32
    %select_n3A = arith.select %eq3A_0, %jit3A_1, %jit3A : i32
    %rem3A = arith.remsi %arg0, %select_n3A : i32
    %ne3A = arith.constant 0 : i32
    %ne3A_2 = arith.cmpi ne, %rem3A, %ne3A : i32
    %lt3A = arith.constant 0 : i32
    %lt3A_3 = arith.cmpi slt, %rem3A, %lt3A : i32
    %lt3A_4 = arith.constant 0 : i32
    %lt3A_5 = arith.cmpi slt, %select_n3A, %lt3A_4 : i32
    %ne3A_6 = arith.xori %lt3A_3, %lt3A_5 : i1
    %and3A = arith.andi %ne3A_6, %ne3A_2 : i1
    %add3A = arith.addi %rem3A, %select_n3A : i32
    %select_n3A_7 = arith.select %and3A, %add3A, %rem3A : i32
    %c0_i32 = arith.constant 0 : i32
    %c0_i32_8 = arith.constant 0 : i32
    return %select_n3A_7, %c0_i32 : i32, i32
  }
  func.func @transform_1(%arg0: i32) -> (i32, i32) {
    %c0_i32 = arith.constant 0 : i32
    %c0_i32_0 = arith.constant 0 : i32
    %c0_i32_1 = arith.constant 0 : i32
    return %c0_i32, %c0_i32_0 : i32, i32
  }
  func.func @transform_2(%arg0: i32) -> (i32, i32) {
    %c0_i32 = arith.constant 0 : i32
    %c0_i32_0 = arith.constant 0 : i32
    %c0_i32_1 = arith.constant 0 : i32
    return %c0_i32, %c0_i32_0 : i32, i32
  }
  func.func @transform_3(%arg0: i32) -> (i32, i32, i32) {
    %c0_i32 = arith.constant 0 : i32
    %c0_i32_0 = arith.constant 0 : i32
    %c0_i32_1 = arith.constant 0 : i32
    %c0_i32_2 = arith.constant 0 : i32
    return %c0_i32, %c0_i32_0, %c0_i32_1 : i32, i32, i32
  }
  func.func @transform_4(%arg0: i32) -> (i32, i32) {
    %c0_i32 = arith.constant 0 : i32
    %c0_i32_0 = arith.constant 0 : i32
    %c0_i32_1 = arith.constant 0 : i32
    return %c0_i32, %c0_i32_0 : i32, i32
  }
}

module attributes {stable_mosaic.version = 14 : i64} {
  func.func @_mm_body(%arg0: i32, %arg1: memref<128xi32, #tpu.memory_space<smem>>, %arg2: memref<6144x128xf32, #tpu.memory_space<vmem>>, %arg3: memref<64x128x128xf32, #tpu.memory_space<vmem>>, %arg4: memref<64x1x128xf32, #tpu.memory_space<vmem>>, %arg5: memref<6144x128xf32, #tpu.memory_space<vmem>>) attributes {dimension_semantics = [#tpu.dimension_semantics<arbitrary>], iteration_bounds = array<i64: 2>, scalar_prefetch = 0 : i64, scratch_operands = 0 : i64, tpu.core_type = #tpu.core_type<tc>, window_params = [{transform_indices = @transform_0, window_bounds = array<i64: 128>}, {transform_indices = @transform_1, window_bounds = array<i64: 6144, 128>}, {pipeline_mode = #tpu.pipeline_mode<synchronous>, transform_indices = @transform_2, window_bounds = array<i64: 64, 128, 128>}, {pipeline_mode = #tpu.pipeline_mode<synchronous>, transform_indices = @transform_3, window_bounds = array<i64: 64, 1, 128>}, {transform_indices = @transform_4, window_bounds = array<i64: 6144, 128>}]} {
    %mul3A = arith.constant 48 : i32
    %mul3A_0 = arith.muli %arg0, %mul3A : i32
    %add3A = arith.constant 0 : i32
    %add3A_1 = arith.addi %mul3A_0, %add3A : i32
    %get3A = arith.index_cast %add3A_1 : i32 to index
    %get3A_2 = memref.load %arg1[%get3A] : memref<128xi32, #tpu.memory_space<smem>>
    %get3A_3 = arith.index_cast %get3A_2 : i32 to index
    %get3A_4 = arith.constant 0 : index
    %get3A_5 = arith.constant 0 : index
    %get3A_6 = vector.load %arg3[%get3A_3, %get3A_4, %get3A_5] : memref<64x128x128xf32, #tpu.memory_space<vmem>>, vector<1x128x128xf32>
    %squeeze3A = vector.shape_cast %get3A_6 : vector<1x128x128xf32> to vector<128x128xf32>
    %get3A_7 = arith.index_cast %get3A_2 : i32 to index
    %get3A_8 = arith.constant 0 : index
    %get3A_9 = arith.constant 0 : index
    %get3A_10 = vector.load %arg4[%get3A_7, %get3A_8, %get3A_9] : memref<64x1x128xf32, #tpu.memory_space<vmem>>, vector<1x1x128xf32>
    %squeeze3A_11 = vector.shape_cast %get3A_10 : vector<1x1x128xf32> to vector<1x128xf32>
    %get3A_12 = arith.constant 0 : index
    %get3A_13 = arith.constant 0 : index
    %get3A_14 = vector.load %arg2[%get3A_12, %get3A_13] : memref<6144x128xf32, #tpu.memory_space<vmem>>, vector<128x128xf32>
    %dot_general3A = arith.constant dense<0.000000e+00> : vector<128x128xf32>
    %dot_general3A_15 = tpu.matmul %get3A_14, %squeeze3A, %dot_general3A {dimension_numbers = #tpu.dot_dimension_numbers<[1], [1], [0], [0], [0, 0, 1, 0], [], []>, transpose_lhs_hint = false} : vector<128x128xf32>, vector<128x128xf32>, vector<128x128xf32> -> vector<128x128xf32>
    %add3A_16 = vector.broadcast %squeeze3A_11 : vector<1x128xf32> to vector<128x128xf32>
    %add3A_17 = arith.addf %dot_general3A_15, %add3A_16 : vector<128x128xf32>
    %swap3A = arith.constant 0 : index
    %swap3A_18 = arith.constant 0 : index
    %swap3A_19 = vector.load %arg5[%swap3A, %swap3A_18] : memref<6144x128xf32, #tpu.memory_space<vmem>>, vector<128x128xf32>
    tpu.vector_store %arg5[%swap3A, %swap3A_18], %add3A_17 {strides = array<i32>} : memref<6144x128xf32, #tpu.memory_space<vmem>>, vector<128x128xf32>,
    %mul3A_20 = arith.constant 48 : i32
    %mul3A_21 = arith.muli %arg0, %mul3A_20 : i32
    %add3A_22 = arith.constant 1 : i32
    %add3A_23 = arith.addi %mul3A_21, %add3A_22 : i32
    %get3A_24 = arith.index_cast %add3A_23 : i32 to index
    %get3A_25 = memref.load %arg1[%get3A_24] : memref<128xi32, #tpu.memory_space<smem>>
    %get3A_26 = arith.index_cast %get3A_25 : i32 to index
    %get3A_27 = arith.constant 0 : index
    %get3A_28 = arith.constant 0 : index
    %get3A_29 = vector.load %arg3[%get3A_26, %get3A_27, %get3A_28] : memref<64x128x128xf32, #tpu.memory_space<vmem>>, vector<1x128x128xf32>
    %squeeze3A_30 = vector.shape_cast %get3A_29 : vector<1x128x128xf32> to vector<128x128xf32>
    %get3A_31 = arith.index_cast %get3A_25 : i32 to index
    %get3A_32 = arith.constant 0 : index
    %get3A_33 = arith.constant 0 : index
    %get3A_34 = vector.load %arg4[%get3A_31, %get3A_32, %get3A_33] : memref<64x1x128xf32, #tpu.memory_space<vmem>>, vector<1x1x128xf32>
    %squeeze3A_35 = vector.shape_cast %get3A_34 : vector<1x1x128xf32> to vector<1x128xf32>
    %get3A_36 = arith.constant 128 : index
    %get3A_37 = arith.constant 0 : index
    %get3A_38 = vector.load %arg2[%get3A_36, %get3A_37] : memref<6144x128xf32, #tpu.memory_space<vmem>>, vector<128x128xf32>
    %dot_general3A_39 = arith.constant dense<0.000000e+00> : vector<128x128xf32>
    %dot_general3A_40 = tpu.matmul %get3A_38, %squeeze3A_30, %dot_general3A_39 {dimension_numbers = #tpu.dot_dimension_numbers<[1], [1], [0], [0], [0, 0, 1, 0], [], []>, transpose_lhs_hint = false} : vector<128x128xf32>, vector<128x128xf32>, vector<128x128xf32> -> vector<128x128xf32>
    %add3A_41 = vector.broadcast %squeeze3A_35 : vector<1x128xf32> to vector<128x128xf32>
    %add3A_42 = arith.addf %dot_general3A_40, %add3A_41 : vector<128x128xf32>
    %swap3A_43 = arith.constant 128 : index
    %swap3A_44 = arith.constant 0 : index
    %swap3A_45 = vector.load %arg5[%swap3A_43, %swap3A_44] : memref<6144x128xf32, #tpu.memory_space<vmem>>, vector<128x128xf32>
    tpu.vector_store %arg5[%swap3A_43, %swap3A_44], %add3A_42 {strides = array<i32>} : memref<6144x128xf32, #tpu.memory_space<vmem>>, vector<128x128xf32>,
    %mul3A_46 = arith.constant 48 : i32
    %mul3A_47 = arith.muli %arg0, %mul3A_46 : i32
    %add3A_48 = arith.constant 2 : i32
    %add3A_49 = arith.addi %mul3A_47, %add3A_48 : i32
    %get3A_50 = arith.index_cast %add3A_49 : i32 to index
    %get3A_51 = memref.load %arg1[%get3A_50] : memref<128xi32, #tpu.memory_space<smem>>
    %get3A_52 = arith.index_cast %get3A_51 : i32 to index
    %get3A_53 = arith.constant 0 : index
    %get3A_54 = arith.constant 0 : index
    %get3A_55 = vector.load %arg3[%get3A_52, %get3A_53, %get3A_54] : memref<64x128x128xf32, #tpu.memory_space<vmem>>, vector<1x128x128xf32>
    %squeeze3A_56 = vector.shape_cast %get3A_55 : vector<1x128x128xf32> to vector<128x128xf32>
    %get3A_57 = arith.index_cast %get3A_51 : i32 to index
    %get3A_58 = arith.constant 0 : index
    %get3A_59 = arith.constant 0 : index
    %get3A_60 = vector.load %arg4[%get3A_57, %get3A_58, %get3A_59] : memref<64x1x128xf32, #tpu.memory_space<vmem>>, vector<1x1x128xf32>
    %squeeze3A_61 = vector.shape_cast %get3A_60 : vector<1x1x128xf32> to vector<1x128xf32>
    %get3A_62 = arith.constant 256 : index
    %get3A_63 = arith.constant 0 : index
    %get3A_64 = vector.load %arg2[%get3A_62, %get3A_63] : memref<6144x128xf32, #tpu.memory_space<vmem>>, vector<128x128xf32>
    %dot_general3A_65 = arith.constant dense<0.000000e+00> : vector<128x128xf32>
    %dot_general3A_66 = tpu.matmul %get3A_64, %squeeze3A_56, %dot_general3A_65 {dimension_numbers = #tpu.dot_dimension_numbers<[1], [1], [0], [0], [0, 0, 1, 0], [], []>, transpose_lhs_hint = false} : vector<128x128xf32>, vector<128x128xf32>, vector<128x128xf32> -> vector<128x128xf32>
    %add3A_67 = vector.broadcast %squeeze3A_61 : vector<1x128xf32> to vector<128x128xf32>
    %add3A_68 = arith.addf %dot_general3A_66, %add3A_67 : vector<128x128xf32>
    %swap3A_69 = arith.constant 256 : index
    %swap3A_70 = arith.constant 0 : index
    %swap3A_71 = vector.load %arg5[%swap3A_69, %swap3A_70] : memref<6144x128xf32, #tpu.memory_space<vmem>>, vector<128x128xf32>
    tpu.vector_store %arg5[%swap3A_69, %swap3A_70], %add3A_68 {strides = array<i32>} : memref<6144x128xf32, #tpu.memory_space<vmem>>, vector<128x128xf32>,
    %mul3A_72 = arith.constant 48 : i32
    %mul3A_73 = arith.muli %arg0, %mul3A_72 : i32
    %add3A_74 = arith.constant 3 : i32
    %add3A_75 = arith.addi %mul3A_73, %add3A_74 : i32
    %get3A_76 = arith.index_cast %add3A_75 : i32 to index
    %get3A_77 = memref.load %arg1[%get3A_76] : memref<128xi32, #tpu.memory_space<smem>>
    %get3A_78 = arith.index_cast %get3A_77 : i32 to index
    %get3A_79 = arith.constant 0 : index
    %get3A_80 = arith.constant 0 : index
    %get3A_81 = vector.load %arg3[%get3A_78, %get3A_79, %get3A_80] : memref<64x128x128xf32, #tpu.memory_space<vmem>>, vector<1x128x128xf32>
    %squeeze3A_82 = vector.shape_cast %get3A_81 : vector<1x128x128xf32> to vector<128x128xf32>
    %get3A_83 = arith.index_cast %get3A_77 : i32 to index
    %get3A_84 = arith.constant 0 : index
    %get3A_85 = arith.constant 0 : index
    %get3A_86 = vector.load %arg4[%get3A_83, %get3A_84, %get3A_85] : memref<64x1x128xf32, #tpu.memory_space<vmem>>, vector<1x1x128xf32>
    %squeeze3A_87 = vector.shape_cast %get3A_86 : vector<1x1x128xf32> to vector<1x128xf32>
    %get3A_88 = arith.constant 384 : index
    %get3A_89 = arith.constant 0 : index
    %get3A_90 = vector.load %arg2[%get3A_88, %get3A_89] : memref<6144x128xf32, #tpu.memory_space<vmem>>, vector<128x128xf32>
    %dot_general3A_91 = arith.constant dense<0.000000e+00> : vector<128x128xf32>
    %dot_general3A_92 = tpu.matmul %get3A_90, %squeeze3A_82, %dot_general3A_91 {dimension_numbers = #tpu.dot_dimension_numbers<[1], [1], [0], [0], [0, 0, 1, 0], [], []>, transpose_lhs_hint = false} : vector<128x128xf32>, vector<128x128xf32>, vector<128x128xf32> -> vector<128x128xf32>
    %add3A_93 = vector.broadcast %squeeze3A_87 : vector<1x128xf32> to vector<128x128xf32>
    %add3A_94 = arith.addf %dot_general3A_92, %add3A_93 : vector<128x128xf32>
    %swap3A_95 = arith.constant 384 : index
    %swap3A_96 = arith.constant 0 : index
    %swap3A_97 = vector.load %arg5[%swap3A_95, %swap3A_96] : memref<6144x128xf32, #tpu.memory_space<vmem>>, vector<128x128xf32>
    tpu.vector_store %arg5[%swap3A_95, %swap3A_96], %add3A_94 {strides = array<i32>} : memref<6144x128xf32, #tpu.memory_space<vmem>>, vector<128x128xf32>,
    %mul3A_98 = arith.constant 48 : i32
    %mul3A_99 = arith.muli %arg0, %mul3A_98 : i32
    %add3A_100 = arith.constant 4 : i32
    %add3A_101 = arith.addi %mul3A_99, %add3A_100 : i32
    %get3A_102 = arith.index_cast %add3A_101 : i32 to index
    %get3A_103 = memref.load %arg1[%get3A_102] : memref<128xi32, #tpu.memory_space<smem>>
    %get3A_104 = arith.index_cast %get3A_103 : i32 to index
    %get3A_105 = arith.constant 0 : index
    %get3A_106 = arith.constant 0 : index
    %get3A_107 = vector.load %arg3[%get3A_104, %get3A_105, %get3A_106] : memref<64x128x128xf32, #tpu.memory_space<vmem>>, vector<1x128x128xf32>
    %squeeze3A_108 = vector.shape_cast %get3A_107 : vector<1x128x128xf32> to vector<128x128xf32>
    %get3A_109 = arith.index_cast %get3A_103 : i32 to index
    %get3A_110 = arith.constant 0 : index
    %get3A_111 = arith.constant 0 : index
    %get3A_112 = vector.load %arg4[%get3A_109, %get3A_110, %get3A_111] : memref<64x1x128xf32, #tpu.memory_space<vmem>>, vector<1x1x128xf32>
    %squeeze3A_113 = vector.shape_cast %get3A_112 : vector<1x1x128xf32> to vector<1x128xf32>
    %get3A_114 = arith.constant 512 : index
    %get3A_115 = arith.constant 0 : index
    %get3A_116 = vector.load %arg2[%get3A_114, %get3A_115] : memref<6144x128xf32, #tpu.memory_space<vmem>>, vector<128x128xf32>
    %dot_general3A_117 = arith.constant dense<0.000000e+00> : vector<128x128xf32>
    %dot_general3A_118 = tpu.matmul %get3A_116, %squeeze3A_108, %dot_general3A_117 {dimension_numbers = #tpu.dot_dimension_numbers<[1], [1], [0], [0], [0, 0, 1, 0], [], []>, transpose_lhs_hint = false} : vector<128x128xf32>, vector<128x128xf32>, vector<128x128xf32> -> vector<128x128xf32>
    %add3A_119 = vector.broadcast %squeeze3A_113 : vector<1x128xf32> to vector<128x128xf32>
    %add3A_120 = arith.addf %dot_general3A_118, %add3A_119 : vector<128x128xf32>
    %swap3A_121 = arith.constant 512 : index
    %swap3A_122 = arith.constant 0 : index
    %swap3A_123 = vector.load %arg5[%swap3A_121, %swap3A_122] : memref<6144x128xf32, #tpu.memory_space<vmem>>, vector<128x128xf32>
    tpu.vector_store %arg5[%swap3A_121, %swap3A_122], %add3A_120 {strides = array<i32>} : memref<6144x128xf32, #tpu.memory_space<vmem>>, vector<128x128xf32>,
    %mul3A_124 = arith.constant 48 : i32
    %mul3A_125 = arith.muli %arg0, %mul3A_124 : i32
    %add3A_126 = arith.constant 5 : i32
    %add3A_127 = arith.addi %mul3A_125, %add3A_126 : i32
    %get3A_128 = arith.index_cast %add3A_127 : i32 to index
    %get3A_129 = memref.load %arg1[%get3A_128] : memref<128xi32, #tpu.memory_space<smem>>
    %get3A_130 = arith.index_cast %get3A_129 : i32 to index
    %get3A_131 = arith.constant 0 : index
    %get3A_132 = arith.constant 0 : index
    %get3A_133 = vector.load %arg3[%get3A_130, %get3A_131, %get3A_132] : memref<64x128x128xf32, #tpu.memory_space<vmem>>, vector<1x128x128xf32>
    %squeeze3A_134 = vector.shape_cast %get3A_133 : vector<1x128x128xf32> to vector<128x128xf32>
    %get3A_135 = arith.index_cast %get3A_129 : i32 to index
    %get3A_136 = arith.constant 0 : index
    %get3A_137 = arith.constant 0 : index
    %get3A_138 = vector.load %arg4[%get3A_135, %get3A_136, %get3A_137] : memref<64x1x128xf32, #tpu.memory_space<vmem>>, vector<1x1x128xf32>
    %squeeze3A_139 = vector.shape_cast %get3A_138 : vector<1x1x128xf32> to vector<1x128xf32>
    %get3A_140 = arith.constant 640 : index
    %get3A_141 = arith.constant 0 : index
    %get3A_142 = vector.load %arg2[%get3A_140, %get3A_141] : memref<6144x128xf32, #tpu.memory_space<vmem>>, vector<128x128xf32>
    %dot_general3A_143 = arith.constant dense<0.000000e+00> : vector<128x128xf32>
    %dot_general3A_144 = tpu.matmul %get3A_142, %squeeze3A_134, %dot_general3A_143 {dimension_numbers = #tpu.dot_dimension_numbers<[1], [1], [0], [0], [0, 0, 1, 0], [], []>, transpose_lhs_hint = false} : vector<128x128xf32>, vector<128x128xf32>, vector<128x128xf32> -> vector<128x128xf32>
    %add3A_145 = vector.broadcast %squeeze3A_139 : vector<1x128xf32> to vector<128x128xf32>
    %add3A_146 = arith.addf %dot_general3A_144, %add3A_145 : vector<128x128xf32>
    %swap3A_147 = arith.constant 640 : index
    %swap3A_148 = arith.constant 0 : index
    %swap3A_149 = vector.load %arg5[%swap3A_147, %swap3A_148] : memref<6144x128xf32, #tpu.memory_space<vmem>>, vector<128x128xf32>
    tpu.vector_store %arg5[%swap3A_147, %swap3A_148], %add3A_146 {strides = array<i32>} : memref<6144x128xf32, #tpu.memory_space<vmem>>, vector<128x128xf32>,
    %mul3A_150 = arith.constant 48 : i32
    %mul3A_151 = arith.muli %arg0, %mul3A_150 : i32
    %add3A_152 = arith.constant 6 : i32
    %add3A_153 = arith.addi %mul3A_151, %add3A_152 : i32
    %get3A_154 = arith.index_cast %add3A_153 : i32 to index
    %get3A_155 = memref.load %arg1[%get3A_154] : memref<128xi32, #tpu.memory_space<smem>>
    %get3A_156 = arith.index_cast %get3A_155 : i32 to index
    %get3A_157 = arith.constant 0 : index
    %get3A_158 = arith.constant 0 : index
    %get3A_159 = vector.load %arg3[%get3A_156, %get3A_157, %get3A_158] : memref<64x128x128xf32, #tpu.memory_space<vmem>>, vector<1x128x128xf32>
    %squeeze3A_160 = vector.shape_cast %get3A_159 : vector<1x128x128xf32> to vector<128x128xf32>
    %get3A_161 = arith.index_cast %get3A_155 : i32 to index
    %get3A_162 = arith.constant 0 : index
    %get3A_163 = arith.constant 0 : index
    %get3A_164 = vector.load %arg4[%get3A_161, %get3A_162, %get3A_163] : memref<64x1x128xf32, #tpu.memory_space<vmem>>, vector<1x1x128xf32>
    %squeeze3A_165 = vector.shape_cast %get3A_164 : vector<1x1x128xf32> to vector<1x128xf32>
    %get3A_166 = arith.constant 768 : index
    %get3A_167 = arith.constant 0 : index
    %get3A_168 = vector.load %arg2[%get3A_166, %get3A_167] : memref<6144x128xf32, #tpu.memory_space<vmem>>, vector<128x128xf32>
    %dot_general3A_169 = arith.constant dense<0.000000e+00> : vector<128x128xf32>
    %dot_general3A_170 = tpu.matmul %get3A_168, %squeeze3A_160, %dot_general3A_169 {dimension_numbers = #tpu.dot_dimension_numbers<[1], [1], [0], [0], [0, 0, 1, 0], [], []>, transpose_lhs_hint = false} : vector<128x128xf32>, vector<128x128xf32>, vector<128x128xf32> -> vector<128x128xf32>
    %add3A_171 = vector.broadcast %squeeze3A_165 : vector<1x128xf32> to vector<128x128xf32>
    %add3A_172 = arith.addf %dot_general3A_170, %add3A_171 : vector<128x128xf32>
    %swap3A_173 = arith.constant 768 : index
    %swap3A_174 = arith.constant 0 : index
    %swap3A_175 = vector.load %arg5[%swap3A_173, %swap3A_174] : memref<6144x128xf32, #tpu.memory_space<vmem>>, vector<128x128xf32>
    tpu.vector_store %arg5[%swap3A_173, %swap3A_174], %add3A_172 {strides = array<i32>} : memref<6144x128xf32, #tpu.memory_space<vmem>>, vector<128x128xf32>,
    %mul3A_176 = arith.constant 48 : i32
    %mul3A_177 = arith.muli %arg0, %mul3A_176 : i32
    %add3A_178 = arith.constant 7 : i32
    %add3A_179 = arith.addi %mul3A_177, %add3A_178 : i32
    %get3A_180 = arith.index_cast %add3A_179 : i32 to index
    %get3A_181 = memref.load %arg1[%get3A_180] : memref<128xi32, #tpu.memory_space<smem>>
    %get3A_182 = arith.index_cast %get3A_181 : i32 to index
    %get3A_183 = arith.constant 0 : index
    %get3A_184 = arith.constant 0 : index
    %get3A_185 = vector.load %arg3[%get3A_182, %get3A_183, %get3A_184] : memref<64x128x128xf32, #tpu.memory_space<vmem>>, vector<1x128x128xf32>
    %squeeze3A_186 = vector.shape_cast %get3A_185 : vector<1x128x128xf32> to vector<128x128xf32>
    %get3A_187 = arith.index_cast %get3A_181 : i32 to index
    %get3A_188 = arith.constant 0 : index
    %get3A_189 = arith.constant 0 : index
    %get3A_190 = vector.load %arg4[%get3A_187, %get3A_188, %get3A_189] : memref<64x1x128xf32, #tpu.memory_space<vmem>>, vector<1x1x128xf32>
    %squeeze3A_191 = vector.shape_cast %get3A_190 : vector<1x1x128xf32> to vector<1x128xf32>
    %get3A_192 = arith.constant 896 : index
    %get3A_193 = arith.constant 0 : index
    %get3A_194 = vector.load %arg2[%get3A_192, %get3A_193] : memref<6144x128xf32, #tpu.memory_space<vmem>>, vector<128x128xf32>
    %dot_general3A_195 = arith.constant dense<0.000000e+00> : vector<128x128xf32>
    %dot_general3A_196 = tpu.matmul %get3A_194, %squeeze3A_186, %dot_general3A_195 {dimension_numbers = #tpu.dot_dimension_numbers<[1], [1], [0], [0], [0, 0, 1, 0], [], []>, transpose_lhs_hint = false} : vector<128x128xf32>, vector<128x128xf32>, vector<128x128xf32> -> vector<128x128xf32>
    %add3A_197 = vector.broadcast %squeeze3A_191 : vector<1x128xf32> to vector<128x128xf32>
    %add3A_198 = arith.addf %dot_general3A_196, %add3A_197 : vector<128x128xf32>
    %swap3A_199 = arith.constant 896 : index
    %swap3A_200 = arith.constant 0 : index
    %swap3A_201 = vector.load %arg5[%swap3A_199, %swap3A_200] : memref<6144x128xf32, #tpu.memory_space<vmem>>, vector<128x128xf32>
    tpu.vector_store %arg5[%swap3A_199, %swap3A_200], %add3A_198 {strides = array<i32>} : memref<6144x128xf32, #tpu.memory_space<vmem>>, vector<128x128xf32>,
    %mul3A_202 = arith.constant 48 : i32
    %mul3A_203 = arith.muli %arg0, %mul3A_202 : i32
    %add3A_204 = arith.constant 8 : i32
    %add3A_205 = arith.addi %mul3A_203, %add3A_204 : i32
    %get3A_206 = arith.index_cast %add3A_205 : i32 to index
    %get3A_207 = memref.load %arg1[%get3A_206] : memref<128xi32, #tpu.memory_space<smem>>
    %get3A_208 = arith.index_cast %get3A_207 : i32 to index
    %get3A_209 = arith.constant 0 : index
    %get3A_210 = arith.constant 0 : index
    %get3A_211 = vector.load %arg3[%get3A_208, %get3A_209, %get3A_210] : memref<64x128x128xf32, #tpu.memory_space<vmem>>, vector<1x128x128xf32>
    %squeeze3A_212 = vector.shape_cast %get3A_211 : vector<1x128x128xf32> to vector<128x128xf32>
    %get3A_213 = arith.index_cast %get3A_207 : i32 to index
    %get3A_214 = arith.constant 0 : index
    %get3A_215 = arith.constant 0 : index
    %get3A_216 = vector.load %arg4[%get3A_213, %get3A_214, %get3A_215] : memref<64x1x128xf32, #tpu.memory_space<vmem>>, vector<1x1x128xf32>
    %squeeze3A_217 = vector.shape_cast %get3A_216 : vector<1x1x128xf32> to vector<1x128xf32>
    %get3A_218 = arith.constant 1024 : index
    %get3A_219 = arith.constant 0 : index
    %get3A_220 = vector.load %arg2[%get3A_218, %get3A_219] : memref<6144x128xf32, #tpu.memory_space<vmem>>, vector<128x128xf32>
    %dot_general3A_221 = arith.constant dense<0.000000e+00> : vector<128x128xf32>
    %dot_general3A_222 = tpu.matmul %get3A_220, %squeeze3A_212, %dot_general3A_221 {dimension_numbers = #tpu.dot_dimension_numbers<[1], [1], [0], [0], [0, 0, 1, 0], [], []>, transpose_lhs_hint = false} : vector<128x128xf32>, vector<128x128xf32>, vector<128x128xf32> -> vector<128x128xf32>
    %add3A_223 = vector.broadcast %squeeze3A_217 : vector<1x128xf32> to vector<128x128xf32>
    %add3A_224 = arith.addf %dot_general3A_222, %add3A_223 : vector<128x128xf32>
    %swap3A_225 = arith.constant 1024 : index
    %swap3A_226 = arith.constant 0 : index
    %swap3A_227 = vector.load %arg5[%swap3A_225, %swap3A_226] : memref<6144x128xf32, #tpu.memory_space<vmem>>, vector<128x128xf32>
    tpu.vector_store %arg5[%swap3A_225, %swap3A_226], %add3A_224 {strides = array<i32>} : memref<6144x128xf32, #tpu.memory_space<vmem>>, vector<128x128xf32>,
    %mul3A_228 = arith.constant 48 : i32
    %mul3A_229 = arith.muli %arg0, %mul3A_228 : i32
    %add3A_230 = arith.constant 9 : i32
    %add3A_231 = arith.addi %mul3A_229, %add3A_230 : i32
    %get3A_232 = arith.index_cast %add3A_231 : i32 to index
    %get3A_233 = memref.load %arg1[%get3A_232] : memref<128xi32, #tpu.memory_space<smem>>
    %get3A_234 = arith.index_cast %get3A_233 : i32 to index
    %get3A_235 = arith.constant 0 : index
    %get3A_236 = arith.constant 0 : index
    %get3A_237 = vector.load %arg3[%get3A_234, %get3A_235, %get3A_236] : memref<64x128x128xf32, #tpu.memory_space<vmem>>, vector<1x128x128xf32>
    %squeeze3A_238 = vector.shape_cast %get3A_237 : vector<1x128x128xf32> to vector<128x128xf32>
    %get3A_239 = arith.index_cast %get3A_233 : i32 to index
    %get3A_240 = arith.constant 0 : index
    %get3A_241 = arith.constant 0 : index
    %get3A_242 = vector.load %arg4[%get3A_239, %get3A_240, %get3A_241] : memref<64x1x128xf32, #tpu.memory_space<vmem>>, vector<1x1x128xf32>
    %squeeze3A_243 = vector.shape_cast %get3A_242 : vector<1x1x128xf32> to vector<1x128xf32>
    %get3A_244 = arith.constant 1152 : index
    %get3A_245 = arith.constant 0 : index
    %get3A_246 = vector.load %arg2[%get3A_244, %get3A_245] : memref<6144x128xf32, #tpu.memory_space<vmem>>, vector<128x128xf32>
    %dot_general3A_247 = arith.constant dense<0.000000e+00> : vector<128x128xf32>
    %dot_general3A_248 = tpu.matmul %get3A_246, %squeeze3A_238, %dot_general3A_247 {dimension_numbers = #tpu.dot_dimension_numbers<[1], [1], [0], [0], [0, 0, 1, 0], [], []>, transpose_lhs_hint = false} : vector<128x128xf32>, vector<128x128xf32>, vector<128x128xf32> -> vector<128x128xf32>
    %add3A_249 = vector.broadcast %squeeze3A_243 : vector<1x128xf32> to vector<128x128xf32>
    %add3A_250 = arith.addf %dot_general3A_248, %add3A_249 : vector<128x128xf32>
    %swap3A_251 = arith.constant 1152 : index
    %swap3A_252 = arith.constant 0 : index
    %swap3A_253 = vector.load %arg5[%swap3A_251, %swap3A_252] : memref<6144x128xf32, #tpu.memory_space<vmem>>, vector<128x128xf32>
    tpu.vector_store %arg5[%swap3A_251, %swap3A_252], %add3A_250 {strides = array<i32>} : memref<6144x128xf32, #tpu.memory_space<vmem>>, vector<128x128xf32>,
    %mul3A_254 = arith.constant 48 : i32
    %mul3A_255 = arith.muli %arg0, %mul3A_254 : i32
    %add3A_256 = arith.constant 10 : i32
    %add3A_257 = arith.addi %mul3A_255, %add3A_256 : i32
    %get3A_258 = arith.index_cast %add3A_257 : i32 to index
    %get3A_259 = memref.load %arg1[%get3A_258] : memref<128xi32, #tpu.memory_space<smem>>
    %get3A_260 = arith.index_cast %get3A_259 : i32 to index
    %get3A_261 = arith.constant 0 : index
    %get3A_262 = arith.constant 0 : index
    %get3A_263 = vector.load %arg3[%get3A_260, %get3A_261, %get3A_262] : memref<64x128x128xf32, #tpu.memory_space<vmem>>, vector<1x128x128xf32>
    %squeeze3A_264 = vector.shape_cast %get3A_263 : vector<1x128x128xf32> to vector<128x128xf32>
    %get3A_265 = arith.index_cast %get3A_259 : i32 to index
    %get3A_266 = arith.constant 0 : index
    %get3A_267 = arith.constant 0 : index
    %get3A_268 = vector.load %arg4[%get3A_265, %get3A_266, %get3A_267] : memref<64x1x128xf32, #tpu.memory_space<vmem>>, vector<1x1x128xf32>
    %squeeze3A_269 = vector.shape_cast %get3A_268 : vector<1x1x128xf32> to vector<1x128xf32>
    %get3A_270 = arith.constant 1280 : index
    %get3A_271 = arith.constant 0 : index
    %get3A_272 = vector.load %arg2[%get3A_270, %get3A_271] : memref<6144x128xf32, #tpu.memory_space<vmem>>, vector<128x128xf32>
    %dot_general3A_273 = arith.constant dense<0.000000e+00> : vector<128x128xf32>
    %dot_general3A_274 = tpu.matmul %get3A_272, %squeeze3A_264, %dot_general3A_273 {dimension_numbers = #tpu.dot_dimension_numbers<[1], [1], [0], [0], [0, 0, 1, 0], [], []>, transpose_lhs_hint = false} : vector<128x128xf32>, vector<128x128xf32>, vector<128x128xf32> -> vector<128x128xf32>
    %add3A_275 = vector.broadcast %squeeze3A_269 : vector<1x128xf32> to vector<128x128xf32>
    %add3A_276 = arith.addf %dot_general3A_274, %add3A_275 : vector<128x128xf32>
    %swap3A_277 = arith.constant 1280 : index
    %swap3A_278 = arith.constant 0 : index
    %swap3A_279 = vector.load %arg5[%swap3A_277, %swap3A_278] : memref<6144x128xf32, #tpu.memory_space<vmem>>, vector<128x128xf32>
    tpu.vector_store %arg5[%swap3A_277, %swap3A_278], %add3A_276 {strides = array<i32>} : memref<6144x128xf32, #tpu.memory_space<vmem>>, vector<128x128xf32>,
    %mul3A_280 = arith.constant 48 : i32
    %mul3A_281 = arith.muli %arg0, %mul3A_280 : i32
    %add3A_282 = arith.constant 11 : i32
    %add3A_283 = arith.addi %mul3A_281, %add3A_282 : i32
    %get3A_284 = arith.index_cast %add3A_283 : i32 to index
    %get3A_285 = memref.load %arg1[%get3A_284] : memref<128xi32, #tpu.memory_space<smem>>
    %get3A_286 = arith.index_cast %get3A_285 : i32 to index
    %get3A_287 = arith.constant 0 : index
    %get3A_288 = arith.constant 0 : index
    %get3A_289 = vector.load %arg3[%get3A_286, %get3A_287, %get3A_288] : memref<64x128x128xf32, #tpu.memory_space<vmem>>, vector<1x128x128xf32>
    %squeeze3A_290 = vector.shape_cast %get3A_289 : vector<1x128x128xf32> to vector<128x128xf32>
    %get3A_291 = arith.index_cast %get3A_285 : i32 to index
    %get3A_292 = arith.constant 0 : index
    %get3A_293 = arith.constant 0 : index
    %get3A_294 = vector.load %arg4[%get3A_291, %get3A_292, %get3A_293] : memref<64x1x128xf32, #tpu.memory_space<vmem>>, vector<1x1x128xf32>
    %squeeze3A_295 = vector.shape_cast %get3A_294 : vector<1x1x128xf32> to vector<1x128xf32>
    %get3A_296 = arith.constant 1408 : index
    %get3A_297 = arith.constant 0 : index
    %get3A_298 = vector.load %arg2[%get3A_296, %get3A_297] : memref<6144x128xf32, #tpu.memory_space<vmem>>, vector<128x128xf32>
    %dot_general3A_299 = arith.constant dense<0.000000e+00> : vector<128x128xf32>
    %dot_general3A_300 = tpu.matmul %get3A_298, %squeeze3A_290, %dot_general3A_299 {dimension_numbers = #tpu.dot_dimension_numbers<[1], [1], [0], [0], [0, 0, 1, 0], [], []>, transpose_lhs_hint = false} : vector<128x128xf32>, vector<128x128xf32>, vector<128x128xf32> -> vector<128x128xf32>
    %add3A_301 = vector.broadcast %squeeze3A_295 : vector<1x128xf32> to vector<128x128xf32>
    %add3A_302 = arith.addf %dot_general3A_300, %add3A_301 : vector<128x128xf32>
    %swap3A_303 = arith.constant 1408 : index
    %swap3A_304 = arith.constant 0 : index
    %swap3A_305 = vector.load %arg5[%swap3A_303, %swap3A_304] : memref<6144x128xf32, #tpu.memory_space<vmem>>, vector<128x128xf32>
    tpu.vector_store %arg5[%swap3A_303, %swap3A_304], %add3A_302 {strides = array<i32>} : memref<6144x128xf32, #tpu.memory_space<vmem>>, vector<128x128xf32>,
    %mul3A_306 = arith.constant 48 : i32
    %mul3A_307 = arith.muli %arg0, %mul3A_306 : i32
    %add3A_308 = arith.constant 12 : i32
    %add3A_309 = arith.addi %mul3A_307, %add3A_308 : i32
    %get3A_310 = arith.index_cast %add3A_309 : i32 to index
    %get3A_311 = memref.load %arg1[%get3A_310] : memref<128xi32, #tpu.memory_space<smem>>
    %get3A_312 = arith.index_cast %get3A_311 : i32 to index
    %get3A_313 = arith.constant 0 : index
    %get3A_314 = arith.constant 0 : index
    %get3A_315 = vector.load %arg3[%get3A_312, %get3A_313, %get3A_314] : memref<64x128x128xf32, #tpu.memory_space<vmem>>, vector<1x128x128xf32>
    %squeeze3A_316 = vector.shape_cast %get3A_315 : vector<1x128x128xf32> to vector<128x128xf32>
    %get3A_317 = arith.index_cast %get3A_311 : i32 to index
    %get3A_318 = arith.constant 0 : index
    %get3A_319 = arith.constant 0 : index
    %get3A_320 = vector.load %arg4[%get3A_317, %get3A_318, %get3A_319] : memref<64x1x128xf32, #tpu.memory_space<vmem>>, vector<1x1x128xf32>
    %squeeze3A_321 = vector.shape_cast %get3A_320 : vector<1x1x128xf32> to vector<1x128xf32>
    %get3A_322 = arith.constant 1536 : index
    %get3A_323 = arith.constant 0 : index
    %get3A_324 = vector.load %arg2[%get3A_322, %get3A_323] : memref<6144x128xf32, #tpu.memory_space<vmem>>, vector<128x128xf32>
    %dot_general3A_325 = arith.constant dense<0.000000e+00> : vector<128x128xf32>
    %dot_general3A_326 = tpu.matmul %get3A_324, %squeeze3A_316, %dot_general3A_325 {dimension_numbers = #tpu.dot_dimension_numbers<[1], [1], [0], [0], [0, 0, 1, 0], [], []>, transpose_lhs_hint = false} : vector<128x128xf32>, vector<128x128xf32>, vector<128x128xf32> -> vector<128x128xf32>
    %add3A_327 = vector.broadcast %squeeze3A_321 : vector<1x128xf32> to vector<128x128xf32>
    %add3A_328 = arith.addf %dot_general3A_326, %add3A_327 : vector<128x128xf32>
    %swap3A_329 = arith.constant 1536 : index
    %swap3A_330 = arith.constant 0 : index
    %swap3A_331 = vector.load %arg5[%swap3A_329, %swap3A_330] : memref<6144x128xf32, #tpu.memory_space<vmem>>, vector<128x128xf32>
    tpu.vector_store %arg5[%swap3A_329, %swap3A_330], %add3A_328 {strides = array<i32>} : memref<6144x128xf32, #tpu.memory_space<vmem>>, vector<128x128xf32>,
    %mul3A_332 = arith.constant 48 : i32
    %mul3A_333 = arith.muli %arg0, %mul3A_332 : i32
    %add3A_334 = arith.constant 13 : i32
    %add3A_335 = arith.addi %mul3A_333, %add3A_334 : i32
    %get3A_336 = arith.index_cast %add3A_335 : i32 to index
    %get3A_337 = memref.load %arg1[%get3A_336] : memref<128xi32, #tpu.memory_space<smem>>
    %get3A_338 = arith.index_cast %get3A_337 : i32 to index
    %get3A_339 = arith.constant 0 : index
    %get3A_340 = arith.constant 0 : index
    %get3A_341 = vector.load %arg3[%get3A_338, %get3A_339, %get3A_340] : memref<64x128x128xf32, #tpu.memory_space<vmem>>, vector<1x128x128xf32>
    %squeeze3A_342 = vector.shape_cast %get3A_341 : vector<1x128x128xf32> to vector<128x128xf32>
    %get3A_343 = arith.index_cast %get3A_337 : i32 to index
    %get3A_344 = arith.constant 0 : index
    %get3A_345 = arith.constant 0 : index
    %get3A_346 = vector.load %arg4[%get3A_343, %get3A_344, %get3A_345] : memref<64x1x128xf32, #tpu.memory_space<vmem>>, vector<1x1x128xf32>
    %squeeze3A_347 = vector.shape_cast %get3A_346 : vector<1x1x128xf32> to vector<1x128xf32>
    %get3A_348 = arith.constant 1664 : index
    %get3A_349 = arith.constant 0 : index
    %get3A_350 = vector.load %arg2[%get3A_348, %get3A_349] : memref<6144x128xf32, #tpu.memory_space<vmem>>, vector<128x128xf32>
    %dot_general3A_351 = arith.constant dense<0.000000e+00> : vector<128x128xf32>
    %dot_general3A_352 = tpu.matmul %get3A_350, %squeeze3A_342, %dot_general3A_351 {dimension_numbers = #tpu.dot_dimension_numbers<[1], [1], [0], [0], [0, 0, 1, 0], [], []>, transpose_lhs_hint = false} : vector<128x128xf32>, vector<128x128xf32>, vector<128x128xf32> -> vector<128x128xf32>
    %add3A_353 = vector.broadcast %squeeze3A_347 : vector<1x128xf32> to vector<128x128xf32>
    %add3A_354 = arith.addf %dot_general3A_352, %add3A_353 : vector<128x128xf32>
    %swap3A_355 = arith.constant 1664 : index
    %swap3A_356 = arith.constant 0 : index
    %swap3A_357 = vector.load %arg5[%swap3A_355, %swap3A_356] : memref<6144x128xf32, #tpu.memory_space<vmem>>, vector<128x128xf32>
    tpu.vector_store %arg5[%swap3A_355, %swap3A_356], %add3A_354 {strides = array<i32>} : memref<6144x128xf32, #tpu.memory_space<vmem>>, vector<128x128xf32>,
    %mul3A_358 = arith.constant 48 : i32
    %mul3A_359 = arith.muli %arg0, %mul3A_358 : i32
    %add3A_360 = arith.constant 14 : i32
    %add3A_361 = arith.addi %mul3A_359, %add3A_360 : i32
    %get3A_362 = arith.index_cast %add3A_361 : i32 to index
    %get3A_363 = memref.load %arg1[%get3A_362] : memref<128xi32, #tpu.memory_space<smem>>
    %get3A_364 = arith.index_cast %get3A_363 : i32 to index
    %get3A_365 = arith.constant 0 : index
    %get3A_366 = arith.constant 0 : index
    %get3A_367 = vector.load %arg3[%get3A_364, %get3A_365, %get3A_366] : memref<64x128x128xf32, #tpu.memory_space<vmem>>, vector<1x128x128xf32>
    %squeeze3A_368 = vector.shape_cast %get3A_367 : vector<1x128x128xf32> to vector<128x128xf32>
    %get3A_369 = arith.index_cast %get3A_363 : i32 to index
    %get3A_370 = arith.constant 0 : index
    %get3A_371 = arith.constant 0 : index
    %get3A_372 = vector.load %arg4[%get3A_369, %get3A_370, %get3A_371] : memref<64x1x128xf32, #tpu.memory_space<vmem>>, vector<1x1x128xf32>
    %squeeze3A_373 = vector.shape_cast %get3A_372 : vector<1x1x128xf32> to vector<1x128xf32>
    %get3A_374 = arith.constant 1792 : index
    %get3A_375 = arith.constant 0 : index
    %get3A_376 = vector.load %arg2[%get3A_374, %get3A_375] : memref<6144x128xf32, #tpu.memory_space<vmem>>, vector<128x128xf32>
    %dot_general3A_377 = arith.constant dense<0.000000e+00> : vector<128x128xf32>
    %dot_general3A_378 = tpu.matmul %get3A_376, %squeeze3A_368, %dot_general3A_377 {dimension_numbers = #tpu.dot_dimension_numbers<[1], [1], [0], [0], [0, 0, 1, 0], [], []>, transpose_lhs_hint = false} : vector<128x128xf32>, vector<128x128xf32>, vector<128x128xf32> -> vector<128x128xf32>
    %add3A_379 = vector.broadcast %squeeze3A_373 : vector<1x128xf32> to vector<128x128xf32>
    %add3A_380 = arith.addf %dot_general3A_378, %add3A_379 : vector<128x128xf32>
    %swap3A_381 = arith.constant 1792 : index
    %swap3A_382 = arith.constant 0 : index
    %swap3A_383 = vector.load %arg5[%swap3A_381, %swap3A_382] : memref<6144x128xf32, #tpu.memory_space<vmem>>, vector<128x128xf32>
    tpu.vector_store %arg5[%swap3A_381, %swap3A_382], %add3A_380 {strides = array<i32>} : memref<6144x128xf32, #tpu.memory_space<vmem>>, vector<128x128xf32>,
    %mul3A_384 = arith.constant 48 : i32
    %mul3A_385 = arith.muli %arg0, %mul3A_384 : i32
    %add3A_386 = arith.constant 15 : i32
    %add3A_387 = arith.addi %mul3A_385, %add3A_386 : i32
    %get3A_388 = arith.index_cast %add3A_387 : i32 to index
    %get3A_389 = memref.load %arg1[%get3A_388] : memref<128xi32, #tpu.memory_space<smem>>
    %get3A_390 = arith.index_cast %get3A_389 : i32 to index
    %get3A_391 = arith.constant 0 : index
    %get3A_392 = arith.constant 0 : index
    %get3A_393 = vector.load %arg3[%get3A_390, %get3A_391, %get3A_392] : memref<64x128x128xf32, #tpu.memory_space<vmem>>, vector<1x128x128xf32>
    %squeeze3A_394 = vector.shape_cast %get3A_393 : vector<1x128x128xf32> to vector<128x128xf32>
    %get3A_395 = arith.index_cast %get3A_389 : i32 to index
    %get3A_396 = arith.constant 0 : index
    %get3A_397 = arith.constant 0 : index
    %get3A_398 = vector.load %arg4[%get3A_395, %get3A_396, %get3A_397] : memref<64x1x128xf32, #tpu.memory_space<vmem>>, vector<1x1x128xf32>
    %squeeze3A_399 = vector.shape_cast %get3A_398 : vector<1x1x128xf32> to vector<1x128xf32>
    %get3A_400 = arith.constant 1920 : index
    %get3A_401 = arith.constant 0 : index
    %get3A_402 = vector.load %arg2[%get3A_400, %get3A_401] : memref<6144x128xf32, #tpu.memory_space<vmem>>, vector<128x128xf32>
    %dot_general3A_403 = arith.constant dense<0.000000e+00> : vector<128x128xf32>
    %dot_general3A_404 = tpu.matmul %get3A_402, %squeeze3A_394, %dot_general3A_403 {dimension_numbers = #tpu.dot_dimension_numbers<[1], [1], [0], [0], [0, 0, 1, 0], [], []>, transpose_lhs_hint = false} : vector<128x128xf32>, vector<128x128xf32>, vector<128x128xf32> -> vector<128x128xf32>
    %add3A_405 = vector.broadcast %squeeze3A_399 : vector<1x128xf32> to vector<128x128xf32>
    %add3A_406 = arith.addf %dot_general3A_404, %add3A_405 : vector<128x128xf32>
    %swap3A_407 = arith.constant 1920 : index
    %swap3A_408 = arith.constant 0 : index
    %swap3A_409 = vector.load %arg5[%swap3A_407, %swap3A_408] : memref<6144x128xf32, #tpu.memory_space<vmem>>, vector<128x128xf32>
    tpu.vector_store %arg5[%swap3A_407, %swap3A_408], %add3A_406 {strides = array<i32>} : memref<6144x128xf32, #tpu.memory_space<vmem>>, vector<128x128xf32>,
    %mul3A_410 = arith.constant 48 : i32
    %mul3A_411 = arith.muli %arg0, %mul3A_410 : i32
    %add3A_412 = arith.constant 16 : i32
    %add3A_413 = arith.addi %mul3A_411, %add3A_412 : i32
    %get3A_414 = arith.index_cast %add3A_413 : i32 to index
    %get3A_415 = memref.load %arg1[%get3A_414] : memref<128xi32, #tpu.memory_space<smem>>
    %get3A_416 = arith.index_cast %get3A_415 : i32 to index
    %get3A_417 = arith.constant 0 : index
    %get3A_418 = arith.constant 0 : index
    %get3A_419 = vector.load %arg3[%get3A_416, %get3A_417, %get3A_418] : memref<64x128x128xf32, #tpu.memory_space<vmem>>, vector<1x128x128xf32>
    %squeeze3A_420 = vector.shape_cast %get3A_419 : vector<1x128x128xf32> to vector<128x128xf32>
    %get3A_421 = arith.index_cast %get3A_415 : i32 to index
    %get3A_422 = arith.constant 0 : index
    %get3A_423 = arith.constant 0 : index
    %get3A_424 = vector.load %arg4[%get3A_421, %get3A_422, %get3A_423] : memref<64x1x128xf32, #tpu.memory_space<vmem>>, vector<1x1x128xf32>
    %squeeze3A_425 = vector.shape_cast %get3A_424 : vector<1x1x128xf32> to vector<1x128xf32>
    %get3A_426 = arith.constant 2048 : index
    %get3A_427 = arith.constant 0 : index
    %get3A_428 = vector.load %arg2[%get3A_426, %get3A_427] : memref<6144x128xf32, #tpu.memory_space<vmem>>, vector<128x128xf32>
    %dot_general3A_429 = arith.constant dense<0.000000e+00> : vector<128x128xf32>
    %dot_general3A_430 = tpu.matmul %get3A_428, %squeeze3A_420, %dot_general3A_429 {dimension_numbers = #tpu.dot_dimension_numbers<[1], [1], [0], [0], [0, 0, 1, 0], [], []>, transpose_lhs_hint = false} : vector<128x128xf32>, vector<128x128xf32>, vector<128x128xf32> -> vector<128x128xf32>
    %add3A_431 = vector.broadcast %squeeze3A_425 : vector<1x128xf32> to vector<128x128xf32>
    %add3A_432 = arith.addf %dot_general3A_430, %add3A_431 : vector<128x128xf32>
    %swap3A_433 = arith.constant 2048 : index
    %swap3A_434 = arith.constant 0 : index
    %swap3A_435 = vector.load %arg5[%swap3A_433, %swap3A_434] : memref<6144x128xf32, #tpu.memory_space<vmem>>, vector<128x128xf32>
    tpu.vector_store %arg5[%swap3A_433, %swap3A_434], %add3A_432 {strides = array<i32>} : memref<6144x128xf32, #tpu.memory_space<vmem>>, vector<128x128xf32>,
    %mul3A_436 = arith.constant 48 : i32
    %mul3A_437 = arith.muli %arg0, %mul3A_436 : i32
    %add3A_438 = arith.constant 17 : i32
    %add3A_439 = arith.addi %mul3A_437, %add3A_438 : i32
    %get3A_440 = arith.index_cast %add3A_439 : i32 to index
    %get3A_441 = memref.load %arg1[%get3A_440] : memref<128xi32, #tpu.memory_space<smem>>
    %get3A_442 = arith.index_cast %get3A_441 : i32 to index
    %get3A_443 = arith.constant 0 : index
    %get3A_444 = arith.constant 0 : index
    %get3A_445 = vector.load %arg3[%get3A_442, %get3A_443, %get3A_444] : memref<64x128x128xf32, #tpu.memory_space<vmem>>, vector<1x128x128xf32>
    %squeeze3A_446 = vector.shape_cast %get3A_445 : vector<1x128x128xf32> to vector<128x128xf32>
    %get3A_447 = arith.index_cast %get3A_441 : i32 to index
    %get3A_448 = arith.constant 0 : index
    %get3A_449 = arith.constant 0 : index
    %get3A_450 = vector.load %arg4[%get3A_447, %get3A_448, %get3A_449] : memref<64x1x128xf32, #tpu.memory_space<vmem>>, vector<1x1x128xf32>
    %squeeze3A_451 = vector.shape_cast %get3A_450 : vector<1x1x128xf32> to vector<1x128xf32>
    %get3A_452 = arith.constant 2176 : index
    %get3A_453 = arith.constant 0 : index
    %get3A_454 = vector.load %arg2[%get3A_452, %get3A_453] : memref<6144x128xf32, #tpu.memory_space<vmem>>, vector<128x128xf32>
    %dot_general3A_455 = arith.constant dense<0.000000e+00> : vector<128x128xf32>
    %dot_general3A_456 = tpu.matmul %get3A_454, %squeeze3A_446, %dot_general3A_455 {dimension_numbers = #tpu.dot_dimension_numbers<[1], [1], [0], [0], [0, 0, 1, 0], [], []>, transpose_lhs_hint = false} : vector<128x128xf32>, vector<128x128xf32>, vector<128x128xf32> -> vector<128x128xf32>
    %add3A_457 = vector.broadcast %squeeze3A_451 : vector<1x128xf32> to vector<128x128xf32>
    %add3A_458 = arith.addf %dot_general3A_456, %add3A_457 : vector<128x128xf32>
    %swap3A_459 = arith.constant 2176 : index
    %swap3A_460 = arith.constant 0 : index
    %swap3A_461 = vector.load %arg5[%swap3A_459, %swap3A_460] : memref<6144x128xf32, #tpu.memory_space<vmem>>, vector<128x128xf32>
    tpu.vector_store %arg5[%swap3A_459, %swap3A_460], %add3A_458 {strides = array<i32>} : memref<6144x128xf32, #tpu.memory_space<vmem>>, vector<128x128xf32>,
    %mul3A_462 = arith.constant 48 : i32
    %mul3A_463 = arith.muli %arg0, %mul3A_462 : i32
    %add3A_464 = arith.constant 18 : i32
    %add3A_465 = arith.addi %mul3A_463, %add3A_464 : i32
    %get3A_466 = arith.index_cast %add3A_465 : i32 to index
    %get3A_467 = memref.load %arg1[%get3A_466] : memref<128xi32, #tpu.memory_space<smem>>
    %get3A_468 = arith.index_cast %get3A_467 : i32 to index
    %get3A_469 = arith.constant 0 : index
    %get3A_470 = arith.constant 0 : index
    %get3A_471 = vector.load %arg3[%get3A_468, %get3A_469, %get3A_470] : memref<64x128x128xf32, #tpu.memory_space<vmem>>, vector<1x128x128xf32>
    %squeeze3A_472 = vector.shape_cast %get3A_471 : vector<1x128x128xf32> to vector<128x128xf32>
    %get3A_473 = arith.index_cast %get3A_467 : i32 to index
    %get3A_474 = arith.constant 0 : index
    %get3A_475 = arith.constant 0 : index
    %get3A_476 = vector.load %arg4[%get3A_473, %get3A_474, %get3A_475] : memref<64x1x128xf32, #tpu.memory_space<vmem>>, vector<1x1x128xf32>
    %squeeze3A_477 = vector.shape_cast %get3A_476 : vector<1x1x128xf32> to vector<1x128xf32>
    %get3A_478 = arith.constant 2304 : index
    %get3A_479 = arith.constant 0 : index
    %get3A_480 = vector.load %arg2[%get3A_478, %get3A_479] : memref<6144x128xf32, #tpu.memory_space<vmem>>, vector<128x128xf32>
    %dot_general3A_481 = arith.constant dense<0.000000e+00> : vector<128x128xf32>
    %dot_general3A_482 = tpu.matmul %get3A_480, %squeeze3A_472, %dot_general3A_481 {dimension_numbers = #tpu.dot_dimension_numbers<[1], [1], [0], [0], [0, 0, 1, 0], [], []>, transpose_lhs_hint = false} : vector<128x128xf32>, vector<128x128xf32>, vector<128x128xf32> -> vector<128x128xf32>
    %add3A_483 = vector.broadcast %squeeze3A_477 : vector<1x128xf32> to vector<128x128xf32>
    %add3A_484 = arith.addf %dot_general3A_482, %add3A_483 : vector<128x128xf32>
    %swap3A_485 = arith.constant 2304 : index
    %swap3A_486 = arith.constant 0 : index
    %swap3A_487 = vector.load %arg5[%swap3A_485, %swap3A_486] : memref<6144x128xf32, #tpu.memory_space<vmem>>, vector<128x128xf32>
    tpu.vector_store %arg5[%swap3A_485, %swap3A_486], %add3A_484 {strides = array<i32>} : memref<6144x128xf32, #tpu.memory_space<vmem>>, vector<128x128xf32>,
    %mul3A_488 = arith.constant 48 : i32
    %mul3A_489 = arith.muli %arg0, %mul3A_488 : i32
    %add3A_490 = arith.constant 19 : i32
    %add3A_491 = arith.addi %mul3A_489, %add3A_490 : i32
    %get3A_492 = arith.index_cast %add3A_491 : i32 to index
    %get3A_493 = memref.load %arg1[%get3A_492] : memref<128xi32, #tpu.memory_space<smem>>
    %get3A_494 = arith.index_cast %get3A_493 : i32 to index
    %get3A_495 = arith.constant 0 : index
    %get3A_496 = arith.constant 0 : index
    %get3A_497 = vector.load %arg3[%get3A_494, %get3A_495, %get3A_496] : memref<64x128x128xf32, #tpu.memory_space<vmem>>, vector<1x128x128xf32>
    %squeeze3A_498 = vector.shape_cast %get3A_497 : vector<1x128x128xf32> to vector<128x128xf32>
    %get3A_499 = arith.index_cast %get3A_493 : i32 to index
    %get3A_500 = arith.constant 0 : index
    %get3A_501 = arith.constant 0 : index
    %get3A_502 = vector.load %arg4[%get3A_499, %get3A_500, %get3A_501] : memref<64x1x128xf32, #tpu.memory_space<vmem>>, vector<1x1x128xf32>
    %squeeze3A_503 = vector.shape_cast %get3A_502 : vector<1x1x128xf32> to vector<1x128xf32>
    %get3A_504 = arith.constant 2432 : index
    %get3A_505 = arith.constant 0 : index
    %get3A_506 = vector.load %arg2[%get3A_504, %get3A_505] : memref<6144x128xf32, #tpu.memory_space<vmem>>, vector<128x128xf32>
    %dot_general3A_507 = arith.constant dense<0.000000e+00> : vector<128x128xf32>
    %dot_general3A_508 = tpu.matmul %get3A_506, %squeeze3A_498, %dot_general3A_507 {dimension_numbers = #tpu.dot_dimension_numbers<[1], [1], [0], [0], [0, 0, 1, 0], [], []>, transpose_lhs_hint = false} : vector<128x128xf32>, vector<128x128xf32>, vector<128x128xf32> -> vector<128x128xf32>
    %add3A_509 = vector.broadcast %squeeze3A_503 : vector<1x128xf32> to vector<128x128xf32>
    %add3A_510 = arith.addf %dot_general3A_508, %add3A_509 : vector<128x128xf32>
    %swap3A_511 = arith.constant 2432 : index
    %swap3A_512 = arith.constant 0 : index
    %swap3A_513 = vector.load %arg5[%swap3A_511, %swap3A_512] : memref<6144x128xf32, #tpu.memory_space<vmem>>, vector<128x128xf32>
    tpu.vector_store %arg5[%swap3A_511, %swap3A_512], %add3A_510 {strides = array<i32>} : memref<6144x128xf32, #tpu.memory_space<vmem>>, vector<128x128xf32>,
    %mul3A_514 = arith.constant 48 : i32
    %mul3A_515 = arith.muli %arg0, %mul3A_514 : i32
    %add3A_516 = arith.constant 20 : i32
    %add3A_517 = arith.addi %mul3A_515, %add3A_516 : i32
    %get3A_518 = arith.index_cast %add3A_517 : i32 to index
    %get3A_519 = memref.load %arg1[%get3A_518] : memref<128xi32, #tpu.memory_space<smem>>
    %get3A_520 = arith.index_cast %get3A_519 : i32 to index
    %get3A_521 = arith.constant 0 : index
    %get3A_522 = arith.constant 0 : index
    %get3A_523 = vector.load %arg3[%get3A_520, %get3A_521, %get3A_522] : memref<64x128x128xf32, #tpu.memory_space<vmem>>, vector<1x128x128xf32>
    %squeeze3A_524 = vector.shape_cast %get3A_523 : vector<1x128x128xf32> to vector<128x128xf32>
    %get3A_525 = arith.index_cast %get3A_519 : i32 to index
    %get3A_526 = arith.constant 0 : index
    %get3A_527 = arith.constant 0 : index
    %get3A_528 = vector.load %arg4[%get3A_525, %get3A_526, %get3A_527] : memref<64x1x128xf32, #tpu.memory_space<vmem>>, vector<1x1x128xf32>
    %squeeze3A_529 = vector.shape_cast %get3A_528 : vector<1x1x128xf32> to vector<1x128xf32>
    %get3A_530 = arith.constant 2560 : index
    %get3A_531 = arith.constant 0 : index
    %get3A_532 = vector.load %arg2[%get3A_530, %get3A_531] : memref<6144x128xf32, #tpu.memory_space<vmem>>, vector<128x128xf32>
    %dot_general3A_533 = arith.constant dense<0.000000e+00> : vector<128x128xf32>
    %dot_general3A_534 = tpu.matmul %get3A_532, %squeeze3A_524, %dot_general3A_533 {dimension_numbers = #tpu.dot_dimension_numbers<[1], [1], [0], [0], [0, 0, 1, 0], [], []>, transpose_lhs_hint = false} : vector<128x128xf32>, vector<128x128xf32>, vector<128x128xf32> -> vector<128x128xf32>
    %add3A_535 = vector.broadcast %squeeze3A_529 : vector<1x128xf32> to vector<128x128xf32>
    %add3A_536 = arith.addf %dot_general3A_534, %add3A_535 : vector<128x128xf32>
    %swap3A_537 = arith.constant 2560 : index
    %swap3A_538 = arith.constant 0 : index
    %swap3A_539 = vector.load %arg5[%swap3A_537, %swap3A_538] : memref<6144x128xf32, #tpu.memory_space<vmem>>, vector<128x128xf32>
    tpu.vector_store %arg5[%swap3A_537, %swap3A_538], %add3A_536 {strides = array<i32>} : memref<6144x128xf32, #tpu.memory_space<vmem>>, vector<128x128xf32>,
    %mul3A_540 = arith.constant 48 : i32
    %mul3A_541 = arith.muli %arg0, %mul3A_540 : i32
    %add3A_542 = arith.constant 21 : i32
    %add3A_543 = arith.addi %mul3A_541, %add3A_542 : i32
    %get3A_544 = arith.index_cast %add3A_543 : i32 to index
    %get3A_545 = memref.load %arg1[%get3A_544] : memref<128xi32, #tpu.memory_space<smem>>
    %get3A_546 = arith.index_cast %get3A_545 : i32 to index
    %get3A_547 = arith.constant 0 : index
    %get3A_548 = arith.constant 0 : index
    %get3A_549 = vector.load %arg3[%get3A_546, %get3A_547, %get3A_548] : memref<64x128x128xf32, #tpu.memory_space<vmem>>, vector<1x128x128xf32>
    %squeeze3A_550 = vector.shape_cast %get3A_549 : vector<1x128x128xf32> to vector<128x128xf32>
    %get3A_551 = arith.index_cast %get3A_545 : i32 to index
    %get3A_552 = arith.constant 0 : index
    %get3A_553 = arith.constant 0 : index
    %get3A_554 = vector.load %arg4[%get3A_551, %get3A_552, %get3A_553] : memref<64x1x128xf32, #tpu.memory_space<vmem>>, vector<1x1x128xf32>
    %squeeze3A_555 = vector.shape_cast %get3A_554 : vector<1x1x128xf32> to vector<1x128xf32>
    %get3A_556 = arith.constant 2688 : index
    %get3A_557 = arith.constant 0 : index
    %get3A_558 = vector.load %arg2[%get3A_556, %get3A_557] : memref<6144x128xf32, #tpu.memory_space<vmem>>, vector<128x128xf32>
    %dot_general3A_559 = arith.constant dense<0.000000e+00> : vector<128x128xf32>
    %dot_general3A_560 = tpu.matmul %get3A_558, %squeeze3A_550, %dot_general3A_559 {dimension_numbers = #tpu.dot_dimension_numbers<[1], [1], [0], [0], [0, 0, 1, 0], [], []>, transpose_lhs_hint = false} : vector<128x128xf32>, vector<128x128xf32>, vector<128x128xf32> -> vector<128x128xf32>
    %add3A_561 = vector.broadcast %squeeze3A_555 : vector<1x128xf32> to vector<128x128xf32>
    %add3A_562 = arith.addf %dot_general3A_560, %add3A_561 : vector<128x128xf32>
    %swap3A_563 = arith.constant 2688 : index
    %swap3A_564 = arith.constant 0 : index
    %swap3A_565 = vector.load %arg5[%swap3A_563, %swap3A_564] : memref<6144x128xf32, #tpu.memory_space<vmem>>, vector<128x128xf32>
    tpu.vector_store %arg5[%swap3A_563, %swap3A_564], %add3A_562 {strides = array<i32>} : memref<6144x128xf32, #tpu.memory_space<vmem>>, vector<128x128xf32>,
    %mul3A_566 = arith.constant 48 : i32
    %mul3A_567 = arith.muli %arg0, %mul3A_566 : i32
    %add3A_568 = arith.constant 22 : i32
    %add3A_569 = arith.addi %mul3A_567, %add3A_568 : i32
    %get3A_570 = arith.index_cast %add3A_569 : i32 to index
    %get3A_571 = memref.load %arg1[%get3A_570] : memref<128xi32, #tpu.memory_space<smem>>
    %get3A_572 = arith.index_cast %get3A_571 : i32 to index
    %get3A_573 = arith.constant 0 : index
    %get3A_574 = arith.constant 0 : index
    %get3A_575 = vector.load %arg3[%get3A_572, %get3A_573, %get3A_574] : memref<64x128x128xf32, #tpu.memory_space<vmem>>, vector<1x128x128xf32>
    %squeeze3A_576 = vector.shape_cast %get3A_575 : vector<1x128x128xf32> to vector<128x128xf32>
    %get3A_577 = arith.index_cast %get3A_571 : i32 to index
    %get3A_578 = arith.constant 0 : index
    %get3A_579 = arith.constant 0 : index
    %get3A_580 = vector.load %arg4[%get3A_577, %get3A_578, %get3A_579] : memref<64x1x128xf32, #tpu.memory_space<vmem>>, vector<1x1x128xf32>
    %squeeze3A_581 = vector.shape_cast %get3A_580 : vector<1x1x128xf32> to vector<1x128xf32>
    %get3A_582 = arith.constant 2816 : index
    %get3A_583 = arith.constant 0 : index
    %get3A_584 = vector.load %arg2[%get3A_582, %get3A_583] : memref<6144x128xf32, #tpu.memory_space<vmem>>, vector<128x128xf32>
    %dot_general3A_585 = arith.constant dense<0.000000e+00> : vector<128x128xf32>
    %dot_general3A_586 = tpu.matmul %get3A_584, %squeeze3A_576, %dot_general3A_585 {dimension_numbers = #tpu.dot_dimension_numbers<[1], [1], [0], [0], [0, 0, 1, 0], [], []>, transpose_lhs_hint = false} : vector<128x128xf32>, vector<128x128xf32>, vector<128x128xf32> -> vector<128x128xf32>
    %add3A_587 = vector.broadcast %squeeze3A_581 : vector<1x128xf32> to vector<128x128xf32>
    %add3A_588 = arith.addf %dot_general3A_586, %add3A_587 : vector<128x128xf32>
    %swap3A_589 = arith.constant 2816 : index
    %swap3A_590 = arith.constant 0 : index
    %swap3A_591 = vector.load %arg5[%swap3A_589, %swap3A_590] : memref<6144x128xf32, #tpu.memory_space<vmem>>, vector<128x128xf32>
    tpu.vector_store %arg5[%swap3A_589, %swap3A_590], %add3A_588 {strides = array<i32>} : memref<6144x128xf32, #tpu.memory_space<vmem>>, vector<128x128xf32>,
    %mul3A_592 = arith.constant 48 : i32
    %mul3A_593 = arith.muli %arg0, %mul3A_592 : i32
    %add3A_594 = arith.constant 23 : i32
    %add3A_595 = arith.addi %mul3A_593, %add3A_594 : i32
    %get3A_596 = arith.index_cast %add3A_595 : i32 to index
    %get3A_597 = memref.load %arg1[%get3A_596] : memref<128xi32, #tpu.memory_space<smem>>
    %get3A_598 = arith.index_cast %get3A_597 : i32 to index
    %get3A_599 = arith.constant 0 : index
    %get3A_600 = arith.constant 0 : index
    %get3A_601 = vector.load %arg3[%get3A_598, %get3A_599, %get3A_600] : memref<64x128x128xf32, #tpu.memory_space<vmem>>, vector<1x128x128xf32>
    %squeeze3A_602 = vector.shape_cast %get3A_601 : vector<1x128x128xf32> to vector<128x128xf32>
    %get3A_603 = arith.index_cast %get3A_597 : i32 to index
    %get3A_604 = arith.constant 0 : index
    %get3A_605 = arith.constant 0 : index
    %get3A_606 = vector.load %arg4[%get3A_603, %get3A_604, %get3A_605] : memref<64x1x128xf32, #tpu.memory_space<vmem>>, vector<1x1x128xf32>
    %squeeze3A_607 = vector.shape_cast %get3A_606 : vector<1x1x128xf32> to vector<1x128xf32>
    %get3A_608 = arith.constant 2944 : index
    %get3A_609 = arith.constant 0 : index
    %get3A_610 = vector.load %arg2[%get3A_608, %get3A_609] : memref<6144x128xf32, #tpu.memory_space<vmem>>, vector<128x128xf32>
    %dot_general3A_611 = arith.constant dense<0.000000e+00> : vector<128x128xf32>
    %dot_general3A_612 = tpu.matmul %get3A_610, %squeeze3A_602, %dot_general3A_611 {dimension_numbers = #tpu.dot_dimension_numbers<[1], [1], [0], [0], [0, 0, 1, 0], [], []>, transpose_lhs_hint = false} : vector<128x128xf32>, vector<128x128xf32>, vector<128x128xf32> -> vector<128x128xf32>
    %add3A_613 = vector.broadcast %squeeze3A_607 : vector<1x128xf32> to vector<128x128xf32>
    %add3A_614 = arith.addf %dot_general3A_612, %add3A_613 : vector<128x128xf32>
    %swap3A_615 = arith.constant 2944 : index
    %swap3A_616 = arith.constant 0 : index
    %swap3A_617 = vector.load %arg5[%swap3A_615, %swap3A_616] : memref<6144x128xf32, #tpu.memory_space<vmem>>, vector<128x128xf32>
    tpu.vector_store %arg5[%swap3A_615, %swap3A_616], %add3A_614 {strides = array<i32>} : memref<6144x128xf32, #tpu.memory_space<vmem>>, vector<128x128xf32>,
    %mul3A_618 = arith.constant 48 : i32
    %mul3A_619 = arith.muli %arg0, %mul3A_618 : i32
    %add3A_620 = arith.constant 24 : i32
    %add3A_621 = arith.addi %mul3A_619, %add3A_620 : i32
    %get3A_622 = arith.index_cast %add3A_621 : i32 to index
    %get3A_623 = memref.load %arg1[%get3A_622] : memref<128xi32, #tpu.memory_space<smem>>
    %get3A_624 = arith.index_cast %get3A_623 : i32 to index
    %get3A_625 = arith.constant 0 : index
    %get3A_626 = arith.constant 0 : index
    %get3A_627 = vector.load %arg3[%get3A_624, %get3A_625, %get3A_626] : memref<64x128x128xf32, #tpu.memory_space<vmem>>, vector<1x128x128xf32>
    %squeeze3A_628 = vector.shape_cast %get3A_627 : vector<1x128x128xf32> to vector<128x128xf32>
    %get3A_629 = arith.index_cast %get3A_623 : i32 to index
    %get3A_630 = arith.constant 0 : index
    %get3A_631 = arith.constant 0 : index
    %get3A_632 = vector.load %arg4[%get3A_629, %get3A_630, %get3A_631] : memref<64x1x128xf32, #tpu.memory_space<vmem>>, vector<1x1x128xf32>
    %squeeze3A_633 = vector.shape_cast %get3A_632 : vector<1x1x128xf32> to vector<1x128xf32>
    %get3A_634 = arith.constant 3072 : index
    %get3A_635 = arith.constant 0 : index
    %get3A_636 = vector.load %arg2[%get3A_634, %get3A_635] : memref<6144x128xf32, #tpu.memory_space<vmem>>, vector<128x128xf32>
    %dot_general3A_637 = arith.constant dense<0.000000e+00> : vector<128x128xf32>
    %dot_general3A_638 = tpu.matmul %get3A_636, %squeeze3A_628, %dot_general3A_637 {dimension_numbers = #tpu.dot_dimension_numbers<[1], [1], [0], [0], [0, 0, 1, 0], [], []>, transpose_lhs_hint = false} : vector<128x128xf32>, vector<128x128xf32>, vector<128x128xf32> -> vector<128x128xf32>
    %add3A_639 = vector.broadcast %squeeze3A_633 : vector<1x128xf32> to vector<128x128xf32>
    %add3A_640 = arith.addf %dot_general3A_638, %add3A_639 : vector<128x128xf32>
    %swap3A_641 = arith.constant 3072 : index
    %swap3A_642 = arith.constant 0 : index
    %swap3A_643 = vector.load %arg5[%swap3A_641, %swap3A_642] : memref<6144x128xf32, #tpu.memory_space<vmem>>, vector<128x128xf32>
    tpu.vector_store %arg5[%swap3A_641, %swap3A_642], %add3A_640 {strides = array<i32>} : memref<6144x128xf32, #tpu.memory_space<vmem>>, vector<128x128xf32>,
    %mul3A_644 = arith.constant 48 : i32
    %mul3A_645 = arith.muli %arg0, %mul3A_644 : i32
    %add3A_646 = arith.constant 25 : i32
    %add3A_647 = arith.addi %mul3A_645, %add3A_646 : i32
    %get3A_648 = arith.index_cast %add3A_647 : i32 to index
    %get3A_649 = memref.load %arg1[%get3A_648] : memref<128xi32, #tpu.memory_space<smem>>
    %get3A_650 = arith.index_cast %get3A_649 : i32 to index
    %get3A_651 = arith.constant 0 : index
    %get3A_652 = arith.constant 0 : index
    %get3A_653 = vector.load %arg3[%get3A_650, %get3A_651, %get3A_652] : memref<64x128x128xf32, #tpu.memory_space<vmem>>, vector<1x128x128xf32>
    %squeeze3A_654 = vector.shape_cast %get3A_653 : vector<1x128x128xf32> to vector<128x128xf32>
    %get3A_655 = arith.index_cast %get3A_649 : i32 to index
    %get3A_656 = arith.constant 0 : index
    %get3A_657 = arith.constant 0 : index
    %get3A_658 = vector.load %arg4[%get3A_655, %get3A_656, %get3A_657] : memref<64x1x128xf32, #tpu.memory_space<vmem>>, vector<1x1x128xf32>
    %squeeze3A_659 = vector.shape_cast %get3A_658 : vector<1x1x128xf32> to vector<1x128xf32>
    %get3A_660 = arith.constant 3200 : index
    %get3A_661 = arith.constant 0 : index
    %get3A_662 = vector.load %arg2[%get3A_660, %get3A_661] : memref<6144x128xf32, #tpu.memory_space<vmem>>, vector<128x128xf32>
    %dot_general3A_663 = arith.constant dense<0.000000e+00> : vector<128x128xf32>
    %dot_general3A_664 = tpu.matmul %get3A_662, %squeeze3A_654, %dot_general3A_663 {dimension_numbers = #tpu.dot_dimension_numbers<[1], [1], [0], [0], [0, 0, 1, 0], [], []>, transpose_lhs_hint = false} : vector<128x128xf32>, vector<128x128xf32>, vector<128x128xf32> -> vector<128x128xf32>
    %add3A_665 = vector.broadcast %squeeze3A_659 : vector<1x128xf32> to vector<128x128xf32>
    %add3A_666 = arith.addf %dot_general3A_664, %add3A_665 : vector<128x128xf32>
    %swap3A_667 = arith.constant 3200 : index
    %swap3A_668 = arith.constant 0 : index
    %swap3A_669 = vector.load %arg5[%swap3A_667, %swap3A_668] : memref<6144x128xf32, #tpu.memory_space<vmem>>, vector<128x128xf32>
    tpu.vector_store %arg5[%swap3A_667, %swap3A_668], %add3A_666 {strides = array<i32>} : memref<6144x128xf32, #tpu.memory_space<vmem>>, vector<128x128xf32>,
    %mul3A_670 = arith.constant 48 : i32
    %mul3A_671 = arith.muli %arg0, %mul3A_670 : i32
    %add3A_672 = arith.constant 26 : i32
    %add3A_673 = arith.addi %mul3A_671, %add3A_672 : i32
    %get3A_674 = arith.index_cast %add3A_673 : i32 to index
    %get3A_675 = memref.load %arg1[%get3A_674] : memref<128xi32, #tpu.memory_space<smem>>
    %get3A_676 = arith.index_cast %get3A_675 : i32 to index
    %get3A_677 = arith.constant 0 : index
    %get3A_678 = arith.constant 0 : index
    %get3A_679 = vector.load %arg3[%get3A_676, %get3A_677, %get3A_678] : memref<64x128x128xf32, #tpu.memory_space<vmem>>, vector<1x128x128xf32>
    %squeeze3A_680 = vector.shape_cast %get3A_679 : vector<1x128x128xf32> to vector<128x128xf32>
    %get3A_681 = arith.index_cast %get3A_675 : i32 to index
    %get3A_682 = arith.constant 0 : index
    %get3A_683 = arith.constant 0 : index
    %get3A_684 = vector.load %arg4[%get3A_681, %get3A_682, %get3A_683] : memref<64x1x128xf32, #tpu.memory_space<vmem>>, vector<1x1x128xf32>
    %squeeze3A_685 = vector.shape_cast %get3A_684 : vector<1x1x128xf32> to vector<1x128xf32>
    %get3A_686 = arith.constant 3328 : index
    %get3A_687 = arith.constant 0 : index
    %get3A_688 = vector.load %arg2[%get3A_686, %get3A_687] : memref<6144x128xf32, #tpu.memory_space<vmem>>, vector<128x128xf32>
    %dot_general3A_689 = arith.constant dense<0.000000e+00> : vector<128x128xf32>
    %dot_general3A_690 = tpu.matmul %get3A_688, %squeeze3A_680, %dot_general3A_689 {dimension_numbers = #tpu.dot_dimension_numbers<[1], [1], [0], [0], [0, 0, 1, 0], [], []>, transpose_lhs_hint = false} : vector<128x128xf32>, vector<128x128xf32>, vector<128x128xf32> -> vector<128x128xf32>
    %add3A_691 = vector.broadcast %squeeze3A_685 : vector<1x128xf32> to vector<128x128xf32>
    %add3A_692 = arith.addf %dot_general3A_690, %add3A_691 : vector<128x128xf32>
    %swap3A_693 = arith.constant 3328 : index
    %swap3A_694 = arith.constant 0 : index
    %swap3A_695 = vector.load %arg5[%swap3A_693, %swap3A_694] : memref<6144x128xf32, #tpu.memory_space<vmem>>, vector<128x128xf32>
    tpu.vector_store %arg5[%swap3A_693, %swap3A_694], %add3A_692 {strides = array<i32>} : memref<6144x128xf32, #tpu.memory_space<vmem>>, vector<128x128xf32>,
    %mul3A_696 = arith.constant 48 : i32
    %mul3A_697 = arith.muli %arg0, %mul3A_696 : i32
    %add3A_698 = arith.constant 27 : i32
    %add3A_699 = arith.addi %mul3A_697, %add3A_698 : i32
    %get3A_700 = arith.index_cast %add3A_699 : i32 to index
    %get3A_701 = memref.load %arg1[%get3A_700] : memref<128xi32, #tpu.memory_space<smem>>
    %get3A_702 = arith.index_cast %get3A_701 : i32 to index
    %get3A_703 = arith.constant 0 : index
    %get3A_704 = arith.constant 0 : index
    %get3A_705 = vector.load %arg3[%get3A_702, %get3A_703, %get3A_704] : memref<64x128x128xf32, #tpu.memory_space<vmem>>, vector<1x128x128xf32>
    %squeeze3A_706 = vector.shape_cast %get3A_705 : vector<1x128x128xf32> to vector<128x128xf32>
    %get3A_707 = arith.index_cast %get3A_701 : i32 to index
    %get3A_708 = arith.constant 0 : index
    %get3A_709 = arith.constant 0 : index
    %get3A_710 = vector.load %arg4[%get3A_707, %get3A_708, %get3A_709] : memref<64x1x128xf32, #tpu.memory_space<vmem>>, vector<1x1x128xf32>
    %squeeze3A_711 = vector.shape_cast %get3A_710 : vector<1x1x128xf32> to vector<1x128xf32>
    %get3A_712 = arith.constant 3456 : index
    %get3A_713 = arith.constant 0 : index
    %get3A_714 = vector.load %arg2[%get3A_712, %get3A_713] : memref<6144x128xf32, #tpu.memory_space<vmem>>, vector<128x128xf32>
    %dot_general3A_715 = arith.constant dense<0.000000e+00> : vector<128x128xf32>
    %dot_general3A_716 = tpu.matmul %get3A_714, %squeeze3A_706, %dot_general3A_715 {dimension_numbers = #tpu.dot_dimension_numbers<[1], [1], [0], [0], [0, 0, 1, 0], [], []>, transpose_lhs_hint = false} : vector<128x128xf32>, vector<128x128xf32>, vector<128x128xf32> -> vector<128x128xf32>
    %add3A_717 = vector.broadcast %squeeze3A_711 : vector<1x128xf32> to vector<128x128xf32>
    %add3A_718 = arith.addf %dot_general3A_716, %add3A_717 : vector<128x128xf32>
    %swap3A_719 = arith.constant 3456 : index
    %swap3A_720 = arith.constant 0 : index
    %swap3A_721 = vector.load %arg5[%swap3A_719, %swap3A_720] : memref<6144x128xf32, #tpu.memory_space<vmem>>, vector<128x128xf32>
    tpu.vector_store %arg5[%swap3A_719, %swap3A_720], %add3A_718 {strides = array<i32>} : memref<6144x128xf32, #tpu.memory_space<vmem>>, vector<128x128xf32>,
    %mul3A_722 = arith.constant 48 : i32
    %mul3A_723 = arith.muli %arg0, %mul3A_722 : i32
    %add3A_724 = arith.constant 28 : i32
    %add3A_725 = arith.addi %mul3A_723, %add3A_724 : i32
    %get3A_726 = arith.index_cast %add3A_725 : i32 to index
    %get3A_727 = memref.load %arg1[%get3A_726] : memref<128xi32, #tpu.memory_space<smem>>
    %get3A_728 = arith.index_cast %get3A_727 : i32 to index
    %get3A_729 = arith.constant 0 : index
    %get3A_730 = arith.constant 0 : index
    %get3A_731 = vector.load %arg3[%get3A_728, %get3A_729, %get3A_730] : memref<64x128x128xf32, #tpu.memory_space<vmem>>, vector<1x128x128xf32>
    %squeeze3A_732 = vector.shape_cast %get3A_731 : vector<1x128x128xf32> to vector<128x128xf32>
    %get3A_733 = arith.index_cast %get3A_727 : i32 to index
    %get3A_734 = arith.constant 0 : index
    %get3A_735 = arith.constant 0 : index
    %get3A_736 = vector.load %arg4[%get3A_733, %get3A_734, %get3A_735] : memref<64x1x128xf32, #tpu.memory_space<vmem>>, vector<1x1x128xf32>
    %squeeze3A_737 = vector.shape_cast %get3A_736 : vector<1x1x128xf32> to vector<1x128xf32>
    %get3A_738 = arith.constant 3584 : index
    %get3A_739 = arith.constant 0 : index
    %get3A_740 = vector.load %arg2[%get3A_738, %get3A_739] : memref<6144x128xf32, #tpu.memory_space<vmem>>, vector<128x128xf32>
    %dot_general3A_741 = arith.constant dense<0.000000e+00> : vector<128x128xf32>
    %dot_general3A_742 = tpu.matmul %get3A_740, %squeeze3A_732, %dot_general3A_741 {dimension_numbers = #tpu.dot_dimension_numbers<[1], [1], [0], [0], [0, 0, 1, 0], [], []>, transpose_lhs_hint = false} : vector<128x128xf32>, vector<128x128xf32>, vector<128x128xf32> -> vector<128x128xf32>
    %add3A_743 = vector.broadcast %squeeze3A_737 : vector<1x128xf32> to vector<128x128xf32>
    %add3A_744 = arith.addf %dot_general3A_742, %add3A_743 : vector<128x128xf32>
    %swap3A_745 = arith.constant 3584 : index
    %swap3A_746 = arith.constant 0 : index
    %swap3A_747 = vector.load %arg5[%swap3A_745, %swap3A_746] : memref<6144x128xf32, #tpu.memory_space<vmem>>, vector<128x128xf32>
    tpu.vector_store %arg5[%swap3A_745, %swap3A_746], %add3A_744 {strides = array<i32>} : memref<6144x128xf32, #tpu.memory_space<vmem>>, vector<128x128xf32>,
    %mul3A_748 = arith.constant 48 : i32
    %mul3A_749 = arith.muli %arg0, %mul3A_748 : i32
    %add3A_750 = arith.constant 29 : i32
    %add3A_751 = arith.addi %mul3A_749, %add3A_750 : i32
    %get3A_752 = arith.index_cast %add3A_751 : i32 to index
    %get3A_753 = memref.load %arg1[%get3A_752] : memref<128xi32, #tpu.memory_space<smem>>
    %get3A_754 = arith.index_cast %get3A_753 : i32 to index
    %get3A_755 = arith.constant 0 : index
    %get3A_756 = arith.constant 0 : index
    %get3A_757 = vector.load %arg3[%get3A_754, %get3A_755, %get3A_756] : memref<64x128x128xf32, #tpu.memory_space<vmem>>, vector<1x128x128xf32>
    %squeeze3A_758 = vector.shape_cast %get3A_757 : vector<1x128x128xf32> to vector<128x128xf32>
    %get3A_759 = arith.index_cast %get3A_753 : i32 to index
    %get3A_760 = arith.constant 0 : index
    %get3A_761 = arith.constant 0 : index
    %get3A_762 = vector.load %arg4[%get3A_759, %get3A_760, %get3A_761] : memref<64x1x128xf32, #tpu.memory_space<vmem>>, vector<1x1x128xf32>
    %squeeze3A_763 = vector.shape_cast %get3A_762 : vector<1x1x128xf32> to vector<1x128xf32>
    %get3A_764 = arith.constant 3712 : index
    %get3A_765 = arith.constant 0 : index
    %get3A_766 = vector.load %arg2[%get3A_764, %get3A_765] : memref<6144x128xf32, #tpu.memory_space<vmem>>, vector<128x128xf32>
    %dot_general3A_767 = arith.constant dense<0.000000e+00> : vector<128x128xf32>
    %dot_general3A_768 = tpu.matmul %get3A_766, %squeeze3A_758, %dot_general3A_767 {dimension_numbers = #tpu.dot_dimension_numbers<[1], [1], [0], [0], [0, 0, 1, 0], [], []>, transpose_lhs_hint = false} : vector<128x128xf32>, vector<128x128xf32>, vector<128x128xf32> -> vector<128x128xf32>
    %add3A_769 = vector.broadcast %squeeze3A_763 : vector<1x128xf32> to vector<128x128xf32>
    %add3A_770 = arith.addf %dot_general3A_768, %add3A_769 : vector<128x128xf32>
    %swap3A_771 = arith.constant 3712 : index
    %swap3A_772 = arith.constant 0 : index
    %swap3A_773 = vector.load %arg5[%swap3A_771, %swap3A_772] : memref<6144x128xf32, #tpu.memory_space<vmem>>, vector<128x128xf32>
    tpu.vector_store %arg5[%swap3A_771, %swap3A_772], %add3A_770 {strides = array<i32>} : memref<6144x128xf32, #tpu.memory_space<vmem>>, vector<128x128xf32>,
    %mul3A_774 = arith.constant 48 : i32
    %mul3A_775 = arith.muli %arg0, %mul3A_774 : i32
    %add3A_776 = arith.constant 30 : i32
    %add3A_777 = arith.addi %mul3A_775, %add3A_776 : i32
    %get3A_778 = arith.index_cast %add3A_777 : i32 to index
    %get3A_779 = memref.load %arg1[%get3A_778] : memref<128xi32, #tpu.memory_space<smem>>
    %get3A_780 = arith.index_cast %get3A_779 : i32 to index
    %get3A_781 = arith.constant 0 : index
    %get3A_782 = arith.constant 0 : index
    %get3A_783 = vector.load %arg3[%get3A_780, %get3A_781, %get3A_782] : memref<64x128x128xf32, #tpu.memory_space<vmem>>, vector<1x128x128xf32>
    %squeeze3A_784 = vector.shape_cast %get3A_783 : vector<1x128x128xf32> to vector<128x128xf32>
    %get3A_785 = arith.index_cast %get3A_779 : i32 to index
    %get3A_786 = arith.constant 0 : index
    %get3A_787 = arith.constant 0 : index
    %get3A_788 = vector.load %arg4[%get3A_785, %get3A_786, %get3A_787] : memref<64x1x128xf32, #tpu.memory_space<vmem>>, vector<1x1x128xf32>
    %squeeze3A_789 = vector.shape_cast %get3A_788 : vector<1x1x128xf32> to vector<1x128xf32>
    %get3A_790 = arith.constant 3840 : index
    %get3A_791 = arith.constant 0 : index
    %get3A_792 = vector.load %arg2[%get3A_790, %get3A_791] : memref<6144x128xf32, #tpu.memory_space<vmem>>, vector<128x128xf32>
    %dot_general3A_793 = arith.constant dense<0.000000e+00> : vector<128x128xf32>
    %dot_general3A_794 = tpu.matmul %get3A_792, %squeeze3A_784, %dot_general3A_793 {dimension_numbers = #tpu.dot_dimension_numbers<[1], [1], [0], [0], [0, 0, 1, 0], [], []>, transpose_lhs_hint = false} : vector<128x128xf32>, vector<128x128xf32>, vector<128x128xf32> -> vector<128x128xf32>
    %add3A_795 = vector.broadcast %squeeze3A_789 : vector<1x128xf32> to vector<128x128xf32>
    %add3A_796 = arith.addf %dot_general3A_794, %add3A_795 : vector<128x128xf32>
    %swap3A_797 = arith.constant 3840 : index
    %swap3A_798 = arith.constant 0 : index
    %swap3A_799 = vector.load %arg5[%swap3A_797, %swap3A_798] : memref<6144x128xf32, #tpu.memory_space<vmem>>, vector<128x128xf32>
    tpu.vector_store %arg5[%swap3A_797, %swap3A_798], %add3A_796 {strides = array<i32>} : memref<6144x128xf32, #tpu.memory_space<vmem>>, vector<128x128xf32>,
    %mul3A_800 = arith.constant 48 : i32
    %mul3A_801 = arith.muli %arg0, %mul3A_800 : i32
    %add3A_802 = arith.constant 31 : i32
    %add3A_803 = arith.addi %mul3A_801, %add3A_802 : i32
    %get3A_804 = arith.index_cast %add3A_803 : i32 to index
    %get3A_805 = memref.load %arg1[%get3A_804] : memref<128xi32, #tpu.memory_space<smem>>
    %get3A_806 = arith.index_cast %get3A_805 : i32 to index
    %get3A_807 = arith.constant 0 : index
    %get3A_808 = arith.constant 0 : index
    %get3A_809 = vector.load %arg3[%get3A_806, %get3A_807, %get3A_808] : memref<64x128x128xf32, #tpu.memory_space<vmem>>, vector<1x128x128xf32>
    %squeeze3A_810 = vector.shape_cast %get3A_809 : vector<1x128x128xf32> to vector<128x128xf32>
    %get3A_811 = arith.index_cast %get3A_805 : i32 to index
    %get3A_812 = arith.constant 0 : index
    %get3A_813 = arith.constant 0 : index
    %get3A_814 = vector.load %arg4[%get3A_811, %get3A_812, %get3A_813] : memref<64x1x128xf32, #tpu.memory_space<vmem>>, vector<1x1x128xf32>
    %squeeze3A_815 = vector.shape_cast %get3A_814 : vector<1x1x128xf32> to vector<1x128xf32>
    %get3A_816 = arith.constant 3968 : index
    %get3A_817 = arith.constant 0 : index
    %get3A_818 = vector.load %arg2[%get3A_816, %get3A_817] : memref<6144x128xf32, #tpu.memory_space<vmem>>, vector<128x128xf32>
    %dot_general3A_819 = arith.constant dense<0.000000e+00> : vector<128x128xf32>
    %dot_general3A_820 = tpu.matmul %get3A_818, %squeeze3A_810, %dot_general3A_819 {dimension_numbers = #tpu.dot_dimension_numbers<[1], [1], [0], [0], [0, 0, 1, 0], [], []>, transpose_lhs_hint = false} : vector<128x128xf32>, vector<128x128xf32>, vector<128x128xf32> -> vector<128x128xf32>
    %add3A_821 = vector.broadcast %squeeze3A_815 : vector<1x128xf32> to vector<128x128xf32>
    %add3A_822 = arith.addf %dot_general3A_820, %add3A_821 : vector<128x128xf32>
    %swap3A_823 = arith.constant 3968 : index
    %swap3A_824 = arith.constant 0 : index
    %swap3A_825 = vector.load %arg5[%swap3A_823, %swap3A_824] : memref<6144x128xf32, #tpu.memory_space<vmem>>, vector<128x128xf32>
    tpu.vector_store %arg5[%swap3A_823, %swap3A_824], %add3A_822 {strides = array<i32>} : memref<6144x128xf32, #tpu.memory_space<vmem>>, vector<128x128xf32>,
    %mul3A_826 = arith.constant 48 : i32
    %mul3A_827 = arith.muli %arg0, %mul3A_826 : i32
    %add3A_828 = arith.constant 32 : i32
    %add3A_829 = arith.addi %mul3A_827, %add3A_828 : i32
    %get3A_830 = arith.index_cast %add3A_829 : i32 to index
    %get3A_831 = memref.load %arg1[%get3A_830] : memref<128xi32, #tpu.memory_space<smem>>
    %get3A_832 = arith.index_cast %get3A_831 : i32 to index
    %get3A_833 = arith.constant 0 : index
    %get3A_834 = arith.constant 0 : index
    %get3A_835 = vector.load %arg3[%get3A_832, %get3A_833, %get3A_834] : memref<64x128x128xf32, #tpu.memory_space<vmem>>, vector<1x128x128xf32>
    %squeeze3A_836 = vector.shape_cast %get3A_835 : vector<1x128x128xf32> to vector<128x128xf32>
    %get3A_837 = arith.index_cast %get3A_831 : i32 to index
    %get3A_838 = arith.constant 0 : index
    %get3A_839 = arith.constant 0 : index
    %get3A_840 = vector.load %arg4[%get3A_837, %get3A_838, %get3A_839] : memref<64x1x128xf32, #tpu.memory_space<vmem>>, vector<1x1x128xf32>
    %squeeze3A_841 = vector.shape_cast %get3A_840 : vector<1x1x128xf32> to vector<1x128xf32>
    %get3A_842 = arith.constant 4096 : index
    %get3A_843 = arith.constant 0 : index
    %get3A_844 = vector.load %arg2[%get3A_842, %get3A_843] : memref<6144x128xf32, #tpu.memory_space<vmem>>, vector<128x128xf32>
    %dot_general3A_845 = arith.constant dense<0.000000e+00> : vector<128x128xf32>
    %dot_general3A_846 = tpu.matmul %get3A_844, %squeeze3A_836, %dot_general3A_845 {dimension_numbers = #tpu.dot_dimension_numbers<[1], [1], [0], [0], [0, 0, 1, 0], [], []>, transpose_lhs_hint = false} : vector<128x128xf32>, vector<128x128xf32>, vector<128x128xf32> -> vector<128x128xf32>
    %add3A_847 = vector.broadcast %squeeze3A_841 : vector<1x128xf32> to vector<128x128xf32>
    %add3A_848 = arith.addf %dot_general3A_846, %add3A_847 : vector<128x128xf32>
    %swap3A_849 = arith.constant 4096 : index
    %swap3A_850 = arith.constant 0 : index
    %swap3A_851 = vector.load %arg5[%swap3A_849, %swap3A_850] : memref<6144x128xf32, #tpu.memory_space<vmem>>, vector<128x128xf32>
    tpu.vector_store %arg5[%swap3A_849, %swap3A_850], %add3A_848 {strides = array<i32>} : memref<6144x128xf32, #tpu.memory_space<vmem>>, vector<128x128xf32>,
    %mul3A_852 = arith.constant 48 : i32
    %mul3A_853 = arith.muli %arg0, %mul3A_852 : i32
    %add3A_854 = arith.constant 33 : i32
    %add3A_855 = arith.addi %mul3A_853, %add3A_854 : i32
    %get3A_856 = arith.index_cast %add3A_855 : i32 to index
    %get3A_857 = memref.load %arg1[%get3A_856] : memref<128xi32, #tpu.memory_space<smem>>
    %get3A_858 = arith.index_cast %get3A_857 : i32 to index
    %get3A_859 = arith.constant 0 : index
    %get3A_860 = arith.constant 0 : index
    %get3A_861 = vector.load %arg3[%get3A_858, %get3A_859, %get3A_860] : memref<64x128x128xf32, #tpu.memory_space<vmem>>, vector<1x128x128xf32>
    %squeeze3A_862 = vector.shape_cast %get3A_861 : vector<1x128x128xf32> to vector<128x128xf32>
    %get3A_863 = arith.index_cast %get3A_857 : i32 to index
    %get3A_864 = arith.constant 0 : index
    %get3A_865 = arith.constant 0 : index
    %get3A_866 = vector.load %arg4[%get3A_863, %get3A_864, %get3A_865] : memref<64x1x128xf32, #tpu.memory_space<vmem>>, vector<1x1x128xf32>
    %squeeze3A_867 = vector.shape_cast %get3A_866 : vector<1x1x128xf32> to vector<1x128xf32>
    %get3A_868 = arith.constant 4224 : index
    %get3A_869 = arith.constant 0 : index
    %get3A_870 = vector.load %arg2[%get3A_868, %get3A_869] : memref<6144x128xf32, #tpu.memory_space<vmem>>, vector<128x128xf32>
    %dot_general3A_871 = arith.constant dense<0.000000e+00> : vector<128x128xf32>
    %dot_general3A_872 = tpu.matmul %get3A_870, %squeeze3A_862, %dot_general3A_871 {dimension_numbers = #tpu.dot_dimension_numbers<[1], [1], [0], [0], [0, 0, 1, 0], [], []>, transpose_lhs_hint = false} : vector<128x128xf32>, vector<128x128xf32>, vector<128x128xf32> -> vector<128x128xf32>
    %add3A_873 = vector.broadcast %squeeze3A_867 : vector<1x128xf32> to vector<128x128xf32>
    %add3A_874 = arith.addf %dot_general3A_872, %add3A_873 : vector<128x128xf32>
    %swap3A_875 = arith.constant 4224 : index
    %swap3A_876 = arith.constant 0 : index
    %swap3A_877 = vector.load %arg5[%swap3A_875, %swap3A_876] : memref<6144x128xf32, #tpu.memory_space<vmem>>, vector<128x128xf32>
    tpu.vector_store %arg5[%swap3A_875, %swap3A_876], %add3A_874 {strides = array<i32>} : memref<6144x128xf32, #tpu.memory_space<vmem>>, vector<128x128xf32>,
    %mul3A_878 = arith.constant 48 : i32
    %mul3A_879 = arith.muli %arg0, %mul3A_878 : i32
    %add3A_880 = arith.constant 34 : i32
    %add3A_881 = arith.addi %mul3A_879, %add3A_880 : i32
    %get3A_882 = arith.index_cast %add3A_881 : i32 to index
    %get3A_883 = memref.load %arg1[%get3A_882] : memref<128xi32, #tpu.memory_space<smem>>
    %get3A_884 = arith.index_cast %get3A_883 : i32 to index
    %get3A_885 = arith.constant 0 : index
    %get3A_886 = arith.constant 0 : index
    %get3A_887 = vector.load %arg3[%get3A_884, %get3A_885, %get3A_886] : memref<64x128x128xf32, #tpu.memory_space<vmem>>, vector<1x128x128xf32>
    %squeeze3A_888 = vector.shape_cast %get3A_887 : vector<1x128x128xf32> to vector<128x128xf32>
    %get3A_889 = arith.index_cast %get3A_883 : i32 to index
    %get3A_890 = arith.constant 0 : index
    %get3A_891 = arith.constant 0 : index
    %get3A_892 = vector.load %arg4[%get3A_889, %get3A_890, %get3A_891] : memref<64x1x128xf32, #tpu.memory_space<vmem>>, vector<1x1x128xf32>
    %squeeze3A_893 = vector.shape_cast %get3A_892 : vector<1x1x128xf32> to vector<1x128xf32>
    %get3A_894 = arith.constant 4352 : index
    %get3A_895 = arith.constant 0 : index
    %get3A_896 = vector.load %arg2[%get3A_894, %get3A_895] : memref<6144x128xf32, #tpu.memory_space<vmem>>, vector<128x128xf32>
    %dot_general3A_897 = arith.constant dense<0.000000e+00> : vector<128x128xf32>
    %dot_general3A_898 = tpu.matmul %get3A_896, %squeeze3A_888, %dot_general3A_897 {dimension_numbers = #tpu.dot_dimension_numbers<[1], [1], [0], [0], [0, 0, 1, 0], [], []>, transpose_lhs_hint = false} : vector<128x128xf32>, vector<128x128xf32>, vector<128x128xf32> -> vector<128x128xf32>
    %add3A_899 = vector.broadcast %squeeze3A_893 : vector<1x128xf32> to vector<128x128xf32>
    %add3A_900 = arith.addf %dot_general3A_898, %add3A_899 : vector<128x128xf32>
    %swap3A_901 = arith.constant 4352 : index
    %swap3A_902 = arith.constant 0 : index
    %swap3A_903 = vector.load %arg5[%swap3A_901, %swap3A_902] : memref<6144x128xf32, #tpu.memory_space<vmem>>, vector<128x128xf32>
    tpu.vector_store %arg5[%swap3A_901, %swap3A_902], %add3A_900 {strides = array<i32>} : memref<6144x128xf32, #tpu.memory_space<vmem>>, vector<128x128xf32>,
    %mul3A_904 = arith.constant 48 : i32
    %mul3A_905 = arith.muli %arg0, %mul3A_904 : i32
    %add3A_906 = arith.constant 35 : i32
    %add3A_907 = arith.addi %mul3A_905, %add3A_906 : i32
    %get3A_908 = arith.index_cast %add3A_907 : i32 to index
    %get3A_909 = memref.load %arg1[%get3A_908] : memref<128xi32, #tpu.memory_space<smem>>
    %get3A_910 = arith.index_cast %get3A_909 : i32 to index
    %get3A_911 = arith.constant 0 : index
    %get3A_912 = arith.constant 0 : index
    %get3A_913 = vector.load %arg3[%get3A_910, %get3A_911, %get3A_912] : memref<64x128x128xf32, #tpu.memory_space<vmem>>, vector<1x128x128xf32>
    %squeeze3A_914 = vector.shape_cast %get3A_913 : vector<1x128x128xf32> to vector<128x128xf32>
    %get3A_915 = arith.index_cast %get3A_909 : i32 to index
    %get3A_916 = arith.constant 0 : index
    %get3A_917 = arith.constant 0 : index
    %get3A_918 = vector.load %arg4[%get3A_915, %get3A_916, %get3A_917] : memref<64x1x128xf32, #tpu.memory_space<vmem>>, vector<1x1x128xf32>
    %squeeze3A_919 = vector.shape_cast %get3A_918 : vector<1x1x128xf32> to vector<1x128xf32>
    %get3A_920 = arith.constant 4480 : index
    %get3A_921 = arith.constant 0 : index
    %get3A_922 = vector.load %arg2[%get3A_920, %get3A_921] : memref<6144x128xf32, #tpu.memory_space<vmem>>, vector<128x128xf32>
    %dot_general3A_923 = arith.constant dense<0.000000e+00> : vector<128x128xf32>
    %dot_general3A_924 = tpu.matmul %get3A_922, %squeeze3A_914, %dot_general3A_923 {dimension_numbers = #tpu.dot_dimension_numbers<[1], [1], [0], [0], [0, 0, 1, 0], [], []>, transpose_lhs_hint = false} : vector<128x128xf32>, vector<128x128xf32>, vector<128x128xf32> -> vector<128x128xf32>
    %add3A_925 = vector.broadcast %squeeze3A_919 : vector<1x128xf32> to vector<128x128xf32>
    %add3A_926 = arith.addf %dot_general3A_924, %add3A_925 : vector<128x128xf32>
    %swap3A_927 = arith.constant 4480 : index
    %swap3A_928 = arith.constant 0 : index
    %swap3A_929 = vector.load %arg5[%swap3A_927, %swap3A_928] : memref<6144x128xf32, #tpu.memory_space<vmem>>, vector<128x128xf32>
    tpu.vector_store %arg5[%swap3A_927, %swap3A_928], %add3A_926 {strides = array<i32>} : memref<6144x128xf32, #tpu.memory_space<vmem>>, vector<128x128xf32>,
    %mul3A_930 = arith.constant 48 : i32
    %mul3A_931 = arith.muli %arg0, %mul3A_930 : i32
    %add3A_932 = arith.constant 36 : i32
    %add3A_933 = arith.addi %mul3A_931, %add3A_932 : i32
    %get3A_934 = arith.index_cast %add3A_933 : i32 to index
    %get3A_935 = memref.load %arg1[%get3A_934] : memref<128xi32, #tpu.memory_space<smem>>
    %get3A_936 = arith.index_cast %get3A_935 : i32 to index
    %get3A_937 = arith.constant 0 : index
    %get3A_938 = arith.constant 0 : index
    %get3A_939 = vector.load %arg3[%get3A_936, %get3A_937, %get3A_938] : memref<64x128x128xf32, #tpu.memory_space<vmem>>, vector<1x128x128xf32>
    %squeeze3A_940 = vector.shape_cast %get3A_939 : vector<1x128x128xf32> to vector<128x128xf32>
    %get3A_941 = arith.index_cast %get3A_935 : i32 to index
    %get3A_942 = arith.constant 0 : index
    %get3A_943 = arith.constant 0 : index
    %get3A_944 = vector.load %arg4[%get3A_941, %get3A_942, %get3A_943] : memref<64x1x128xf32, #tpu.memory_space<vmem>>, vector<1x1x128xf32>
    %squeeze3A_945 = vector.shape_cast %get3A_944 : vector<1x1x128xf32> to vector<1x128xf32>
    %get3A_946 = arith.constant 4608 : index
    %get3A_947 = arith.constant 0 : index
    %get3A_948 = vector.load %arg2[%get3A_946, %get3A_947] : memref<6144x128xf32, #tpu.memory_space<vmem>>, vector<128x128xf32>
    %dot_general3A_949 = arith.constant dense<0.000000e+00> : vector<128x128xf32>
    %dot_general3A_950 = tpu.matmul %get3A_948, %squeeze3A_940, %dot_general3A_949 {dimension_numbers = #tpu.dot_dimension_numbers<[1], [1], [0], [0], [0, 0, 1, 0], [], []>, transpose_lhs_hint = false} : vector<128x128xf32>, vector<128x128xf32>, vector<128x128xf32> -> vector<128x128xf32>
    %add3A_951 = vector.broadcast %squeeze3A_945 : vector<1x128xf32> to vector<128x128xf32>
    %add3A_952 = arith.addf %dot_general3A_950, %add3A_951 : vector<128x128xf32>
    %swap3A_953 = arith.constant 4608 : index
    %swap3A_954 = arith.constant 0 : index
    %swap3A_955 = vector.load %arg5[%swap3A_953, %swap3A_954] : memref<6144x128xf32, #tpu.memory_space<vmem>>, vector<128x128xf32>
    tpu.vector_store %arg5[%swap3A_953, %swap3A_954], %add3A_952 {strides = array<i32>} : memref<6144x128xf32, #tpu.memory_space<vmem>>, vector<128x128xf32>,
    %mul3A_956 = arith.constant 48 : i32
    %mul3A_957 = arith.muli %arg0, %mul3A_956 : i32
    %add3A_958 = arith.constant 37 : i32
    %add3A_959 = arith.addi %mul3A_957, %add3A_958 : i32
    %get3A_960 = arith.index_cast %add3A_959 : i32 to index
    %get3A_961 = memref.load %arg1[%get3A_960] : memref<128xi32, #tpu.memory_space<smem>>
    %get3A_962 = arith.index_cast %get3A_961 : i32 to index
    %get3A_963 = arith.constant 0 : index
    %get3A_964 = arith.constant 0 : index
    %get3A_965 = vector.load %arg3[%get3A_962, %get3A_963, %get3A_964] : memref<64x128x128xf32, #tpu.memory_space<vmem>>, vector<1x128x128xf32>
    %squeeze3A_966 = vector.shape_cast %get3A_965 : vector<1x128x128xf32> to vector<128x128xf32>
    %get3A_967 = arith.index_cast %get3A_961 : i32 to index
    %get3A_968 = arith.constant 0 : index
    %get3A_969 = arith.constant 0 : index
    %get3A_970 = vector.load %arg4[%get3A_967, %get3A_968, %get3A_969] : memref<64x1x128xf32, #tpu.memory_space<vmem>>, vector<1x1x128xf32>
    %squeeze3A_971 = vector.shape_cast %get3A_970 : vector<1x1x128xf32> to vector<1x128xf32>
    %get3A_972 = arith.constant 4736 : index
    %get3A_973 = arith.constant 0 : index
    %get3A_974 = vector.load %arg2[%get3A_972, %get3A_973] : memref<6144x128xf32, #tpu.memory_space<vmem>>, vector<128x128xf32>
    %dot_general3A_975 = arith.constant dense<0.000000e+00> : vector<128x128xf32>
    %dot_general3A_976 = tpu.matmul %get3A_974, %squeeze3A_966, %dot_general3A_975 {dimension_numbers = #tpu.dot_dimension_numbers<[1], [1], [0], [0], [0, 0, 1, 0], [], []>, transpose_lhs_hint = false} : vector<128x128xf32>, vector<128x128xf32>, vector<128x128xf32> -> vector<128x128xf32>
    %add3A_977 = vector.broadcast %squeeze3A_971 : vector<1x128xf32> to vector<128x128xf32>
    %add3A_978 = arith.addf %dot_general3A_976, %add3A_977 : vector<128x128xf32>
    %swap3A_979 = arith.constant 4736 : index
    %swap3A_980 = arith.constant 0 : index
    %swap3A_981 = vector.load %arg5[%swap3A_979, %swap3A_980] : memref<6144x128xf32, #tpu.memory_space<vmem>>, vector<128x128xf32>
    tpu.vector_store %arg5[%swap3A_979, %swap3A_980], %add3A_978 {strides = array<i32>} : memref<6144x128xf32, #tpu.memory_space<vmem>>, vector<128x128xf32>,
    %mul3A_982 = arith.constant 48 : i32
    %mul3A_983 = arith.muli %arg0, %mul3A_982 : i32
    %add3A_984 = arith.constant 38 : i32
    %add3A_985 = arith.addi %mul3A_983, %add3A_984 : i32
    %get3A_986 = arith.index_cast %add3A_985 : i32 to index
    %get3A_987 = memref.load %arg1[%get3A_986] : memref<128xi32, #tpu.memory_space<smem>>
    %get3A_988 = arith.index_cast %get3A_987 : i32 to index
    %get3A_989 = arith.constant 0 : index
    %get3A_990 = arith.constant 0 : index
    %get3A_991 = vector.load %arg3[%get3A_988, %get3A_989, %get3A_990] : memref<64x128x128xf32, #tpu.memory_space<vmem>>, vector<1x128x128xf32>
    %squeeze3A_992 = vector.shape_cast %get3A_991 : vector<1x128x128xf32> to vector<128x128xf32>
    %get3A_993 = arith.index_cast %get3A_987 : i32 to index
    %get3A_994 = arith.constant 0 : index
    %get3A_995 = arith.constant 0 : index
    %get3A_996 = vector.load %arg4[%get3A_993, %get3A_994, %get3A_995] : memref<64x1x128xf32, #tpu.memory_space<vmem>>, vector<1x1x128xf32>
    %squeeze3A_997 = vector.shape_cast %get3A_996 : vector<1x1x128xf32> to vector<1x128xf32>
    %get3A_998 = arith.constant 4864 : index
    %get3A_999 = arith.constant 0 : index
    %get3A_1000 = vector.load %arg2[%get3A_998, %get3A_999] : memref<6144x128xf32, #tpu.memory_space<vmem>>, vector<128x128xf32>
    %dot_general3A_1001 = arith.constant dense<0.000000e+00> : vector<128x128xf32>
    %dot_general3A_1002 = tpu.matmul %get3A_1000, %squeeze3A_992, %dot_general3A_1001 {dimension_numbers = #tpu.dot_dimension_numbers<[1], [1], [0], [0], [0, 0, 1, 0], [], []>, transpose_lhs_hint = false} : vector<128x128xf32>, vector<128x128xf32>, vector<128x128xf32> -> vector<128x128xf32>
    %add3A_1003 = vector.broadcast %squeeze3A_997 : vector<1x128xf32> to vector<128x128xf32>
    %add3A_1004 = arith.addf %dot_general3A_1002, %add3A_1003 : vector<128x128xf32>
    %swap3A_1005 = arith.constant 4864 : index
    %swap3A_1006 = arith.constant 0 : index
    %swap3A_1007 = vector.load %arg5[%swap3A_1005, %swap3A_1006] : memref<6144x128xf32, #tpu.memory_space<vmem>>, vector<128x128xf32>
    tpu.vector_store %arg5[%swap3A_1005, %swap3A_1006], %add3A_1004 {strides = array<i32>} : memref<6144x128xf32, #tpu.memory_space<vmem>>, vector<128x128xf32>,
    %mul3A_1008 = arith.constant 48 : i32
    %mul3A_1009 = arith.muli %arg0, %mul3A_1008 : i32
    %add3A_1010 = arith.constant 39 : i32
    %add3A_1011 = arith.addi %mul3A_1009, %add3A_1010 : i32
    %get3A_1012 = arith.index_cast %add3A_1011 : i32 to index
    %get3A_1013 = memref.load %arg1[%get3A_1012] : memref<128xi32, #tpu.memory_space<smem>>
    %get3A_1014 = arith.index_cast %get3A_1013 : i32 to index
    %get3A_1015 = arith.constant 0 : index
    %get3A_1016 = arith.constant 0 : index
    %get3A_1017 = vector.load %arg3[%get3A_1014, %get3A_1015, %get3A_1016] : memref<64x128x128xf32, #tpu.memory_space<vmem>>, vector<1x128x128xf32>
    %squeeze3A_1018 = vector.shape_cast %get3A_1017 : vector<1x128x128xf32> to vector<128x128xf32>
    %get3A_1019 = arith.index_cast %get3A_1013 : i32 to index
    %get3A_1020 = arith.constant 0 : index
    %get3A_1021 = arith.constant 0 : index
    %get3A_1022 = vector.load %arg4[%get3A_1019, %get3A_1020, %get3A_1021] : memref<64x1x128xf32, #tpu.memory_space<vmem>>, vector<1x1x128xf32>
    %squeeze3A_1023 = vector.shape_cast %get3A_1022 : vector<1x1x128xf32> to vector<1x128xf32>
    %get3A_1024 = arith.constant 4992 : index
    %get3A_1025 = arith.constant 0 : index
    %get3A_1026 = vector.load %arg2[%get3A_1024, %get3A_1025] : memref<6144x128xf32, #tpu.memory_space<vmem>>, vector<128x128xf32>
    %dot_general3A_1027 = arith.constant dense<0.000000e+00> : vector<128x128xf32>
    %dot_general3A_1028 = tpu.matmul %get3A_1026, %squeeze3A_1018, %dot_general3A_1027 {dimension_numbers = #tpu.dot_dimension_numbers<[1], [1], [0], [0], [0, 0, 1, 0], [], []>, transpose_lhs_hint = false} : vector<128x128xf32>, vector<128x128xf32>, vector<128x128xf32> -> vector<128x128xf32>
    %add3A_1029 = vector.broadcast %squeeze3A_1023 : vector<1x128xf32> to vector<128x128xf32>
    %add3A_1030 = arith.addf %dot_general3A_1028, %add3A_1029 : vector<128x128xf32>
    %swap3A_1031 = arith.constant 4992 : index
    %swap3A_1032 = arith.constant 0 : index
    %swap3A_1033 = vector.load %arg5[%swap3A_1031, %swap3A_1032] : memref<6144x128xf32, #tpu.memory_space<vmem>>, vector<128x128xf32>
    tpu.vector_store %arg5[%swap3A_1031, %swap3A_1032], %add3A_1030 {strides = array<i32>} : memref<6144x128xf32, #tpu.memory_space<vmem>>, vector<128x128xf32>,
    %mul3A_1034 = arith.constant 48 : i32
    %mul3A_1035 = arith.muli %arg0, %mul3A_1034 : i32
    %add3A_1036 = arith.constant 40 : i32
    %add3A_1037 = arith.addi %mul3A_1035, %add3A_1036 : i32
    %get3A_1038 = arith.index_cast %add3A_1037 : i32 to index
    %get3A_1039 = memref.load %arg1[%get3A_1038] : memref<128xi32, #tpu.memory_space<smem>>
    %get3A_1040 = arith.index_cast %get3A_1039 : i32 to index
    %get3A_1041 = arith.constant 0 : index
    %get3A_1042 = arith.constant 0 : index
    %get3A_1043 = vector.load %arg3[%get3A_1040, %get3A_1041, %get3A_1042] : memref<64x128x128xf32, #tpu.memory_space<vmem>>, vector<1x128x128xf32>
    %squeeze3A_1044 = vector.shape_cast %get3A_1043 : vector<1x128x128xf32> to vector<128x128xf32>
    %get3A_1045 = arith.index_cast %get3A_1039 : i32 to index
    %get3A_1046 = arith.constant 0 : index
    %get3A_1047 = arith.constant 0 : index
    %get3A_1048 = vector.load %arg4[%get3A_1045, %get3A_1046, %get3A_1047] : memref<64x1x128xf32, #tpu.memory_space<vmem>>, vector<1x1x128xf32>
    %squeeze3A_1049 = vector.shape_cast %get3A_1048 : vector<1x1x128xf32> to vector<1x128xf32>
    %get3A_1050 = arith.constant 5120 : index
    %get3A_1051 = arith.constant 0 : index
    %get3A_1052 = vector.load %arg2[%get3A_1050, %get3A_1051] : memref<6144x128xf32, #tpu.memory_space<vmem>>, vector<128x128xf32>
    %dot_general3A_1053 = arith.constant dense<0.000000e+00> : vector<128x128xf32>
    %dot_general3A_1054 = tpu.matmul %get3A_1052, %squeeze3A_1044, %dot_general3A_1053 {dimension_numbers = #tpu.dot_dimension_numbers<[1], [1], [0], [0], [0, 0, 1, 0], [], []>, transpose_lhs_hint = false} : vector<128x128xf32>, vector<128x128xf32>, vector<128x128xf32> -> vector<128x128xf32>
    %add3A_1055 = vector.broadcast %squeeze3A_1049 : vector<1x128xf32> to vector<128x128xf32>
    %add3A_1056 = arith.addf %dot_general3A_1054, %add3A_1055 : vector<128x128xf32>
    %swap3A_1057 = arith.constant 5120 : index
    %swap3A_1058 = arith.constant 0 : index
    %swap3A_1059 = vector.load %arg5[%swap3A_1057, %swap3A_1058] : memref<6144x128xf32, #tpu.memory_space<vmem>>, vector<128x128xf32>
    tpu.vector_store %arg5[%swap3A_1057, %swap3A_1058], %add3A_1056 {strides = array<i32>} : memref<6144x128xf32, #tpu.memory_space<vmem>>, vector<128x128xf32>,
    %mul3A_1060 = arith.constant 48 : i32
    %mul3A_1061 = arith.muli %arg0, %mul3A_1060 : i32
    %add3A_1062 = arith.constant 41 : i32
    %add3A_1063 = arith.addi %mul3A_1061, %add3A_1062 : i32
    %get3A_1064 = arith.index_cast %add3A_1063 : i32 to index
    %get3A_1065 = memref.load %arg1[%get3A_1064] : memref<128xi32, #tpu.memory_space<smem>>
    %get3A_1066 = arith.index_cast %get3A_1065 : i32 to index
    %get3A_1067 = arith.constant 0 : index
    %get3A_1068 = arith.constant 0 : index
    %get3A_1069 = vector.load %arg3[%get3A_1066, %get3A_1067, %get3A_1068] : memref<64x128x128xf32, #tpu.memory_space<vmem>>, vector<1x128x128xf32>
    %squeeze3A_1070 = vector.shape_cast %get3A_1069 : vector<1x128x128xf32> to vector<128x128xf32>
    %get3A_1071 = arith.index_cast %get3A_1065 : i32 to index
    %get3A_1072 = arith.constant 0 : index
    %get3A_1073 = arith.constant 0 : index
    %get3A_1074 = vector.load %arg4[%get3A_1071, %get3A_1072, %get3A_1073] : memref<64x1x128xf32, #tpu.memory_space<vmem>>, vector<1x1x128xf32>
    %squeeze3A_1075 = vector.shape_cast %get3A_1074 : vector<1x1x128xf32> to vector<1x128xf32>
    %get3A_1076 = arith.constant 5248 : index
    %get3A_1077 = arith.constant 0 : index
    %get3A_1078 = vector.load %arg2[%get3A_1076, %get3A_1077] : memref<6144x128xf32, #tpu.memory_space<vmem>>, vector<128x128xf32>
    %dot_general3A_1079 = arith.constant dense<0.000000e+00> : vector<128x128xf32>
    %dot_general3A_1080 = tpu.matmul %get3A_1078, %squeeze3A_1070, %dot_general3A_1079 {dimension_numbers = #tpu.dot_dimension_numbers<[1], [1], [0], [0], [0, 0, 1, 0], [], []>, transpose_lhs_hint = false} : vector<128x128xf32>, vector<128x128xf32>, vector<128x128xf32> -> vector<128x128xf32>
    %add3A_1081 = vector.broadcast %squeeze3A_1075 : vector<1x128xf32> to vector<128x128xf32>
    %add3A_1082 = arith.addf %dot_general3A_1080, %add3A_1081 : vector<128x128xf32>
    %swap3A_1083 = arith.constant 5248 : index
    %swap3A_1084 = arith.constant 0 : index
    %swap3A_1085 = vector.load %arg5[%swap3A_1083, %swap3A_1084] : memref<6144x128xf32, #tpu.memory_space<vmem>>, vector<128x128xf32>
    tpu.vector_store %arg5[%swap3A_1083, %swap3A_1084], %add3A_1082 {strides = array<i32>} : memref<6144x128xf32, #tpu.memory_space<vmem>>, vector<128x128xf32>,
    %mul3A_1086 = arith.constant 48 : i32
    %mul3A_1087 = arith.muli %arg0, %mul3A_1086 : i32
    %add3A_1088 = arith.constant 42 : i32
    %add3A_1089 = arith.addi %mul3A_1087, %add3A_1088 : i32
    %get3A_1090 = arith.index_cast %add3A_1089 : i32 to index
    %get3A_1091 = memref.load %arg1[%get3A_1090] : memref<128xi32, #tpu.memory_space<smem>>
    %get3A_1092 = arith.index_cast %get3A_1091 : i32 to index
    %get3A_1093 = arith.constant 0 : index
    %get3A_1094 = arith.constant 0 : index
    %get3A_1095 = vector.load %arg3[%get3A_1092, %get3A_1093, %get3A_1094] : memref<64x128x128xf32, #tpu.memory_space<vmem>>, vector<1x128x128xf32>
    %squeeze3A_1096 = vector.shape_cast %get3A_1095 : vector<1x128x128xf32> to vector<128x128xf32>
    %get3A_1097 = arith.index_cast %get3A_1091 : i32 to index
    %get3A_1098 = arith.constant 0 : index
    %get3A_1099 = arith.constant 0 : index
    %get3A_1100 = vector.load %arg4[%get3A_1097, %get3A_1098, %get3A_1099] : memref<64x1x128xf32, #tpu.memory_space<vmem>>, vector<1x1x128xf32>
    %squeeze3A_1101 = vector.shape_cast %get3A_1100 : vector<1x1x128xf32> to vector<1x128xf32>
    %get3A_1102 = arith.constant 5376 : index
    %get3A_1103 = arith.constant 0 : index
    %get3A_1104 = vector.load %arg2[%get3A_1102, %get3A_1103] : memref<6144x128xf32, #tpu.memory_space<vmem>>, vector<128x128xf32>
    %dot_general3A_1105 = arith.constant dense<0.000000e+00> : vector<128x128xf32>
    %dot_general3A_1106 = tpu.matmul %get3A_1104, %squeeze3A_1096, %dot_general3A_1105 {dimension_numbers = #tpu.dot_dimension_numbers<[1], [1], [0], [0], [0, 0, 1, 0], [], []>, transpose_lhs_hint = false} : vector<128x128xf32>, vector<128x128xf32>, vector<128x128xf32> -> vector<128x128xf32>
    %add3A_1107 = vector.broadcast %squeeze3A_1101 : vector<1x128xf32> to vector<128x128xf32>
    %add3A_1108 = arith.addf %dot_general3A_1106, %add3A_1107 : vector<128x128xf32>
    %swap3A_1109 = arith.constant 5376 : index
    %swap3A_1110 = arith.constant 0 : index
    %swap3A_1111 = vector.load %arg5[%swap3A_1109, %swap3A_1110] : memref<6144x128xf32, #tpu.memory_space<vmem>>, vector<128x128xf32>
    tpu.vector_store %arg5[%swap3A_1109, %swap3A_1110], %add3A_1108 {strides = array<i32>} : memref<6144x128xf32, #tpu.memory_space<vmem>>, vector<128x128xf32>,
    %mul3A_1112 = arith.constant 48 : i32
    %mul3A_1113 = arith.muli %arg0, %mul3A_1112 : i32
    %add3A_1114 = arith.constant 43 : i32
    %add3A_1115 = arith.addi %mul3A_1113, %add3A_1114 : i32
    %get3A_1116 = arith.index_cast %add3A_1115 : i32 to index
    %get3A_1117 = memref.load %arg1[%get3A_1116] : memref<128xi32, #tpu.memory_space<smem>>
    %get3A_1118 = arith.index_cast %get3A_1117 : i32 to index
    %get3A_1119 = arith.constant 0 : index
    %get3A_1120 = arith.constant 0 : index
    %get3A_1121 = vector.load %arg3[%get3A_1118, %get3A_1119, %get3A_1120] : memref<64x128x128xf32, #tpu.memory_space<vmem>>, vector<1x128x128xf32>
    %squeeze3A_1122 = vector.shape_cast %get3A_1121 : vector<1x128x128xf32> to vector<128x128xf32>
    %get3A_1123 = arith.index_cast %get3A_1117 : i32 to index
    %get3A_1124 = arith.constant 0 : index
    %get3A_1125 = arith.constant 0 : index
    %get3A_1126 = vector.load %arg4[%get3A_1123, %get3A_1124, %get3A_1125] : memref<64x1x128xf32, #tpu.memory_space<vmem>>, vector<1x1x128xf32>
    %squeeze3A_1127 = vector.shape_cast %get3A_1126 : vector<1x1x128xf32> to vector<1x128xf32>
    %get3A_1128 = arith.constant 5504 : index
    %get3A_1129 = arith.constant 0 : index
    %get3A_1130 = vector.load %arg2[%get3A_1128, %get3A_1129] : memref<6144x128xf32, #tpu.memory_space<vmem>>, vector<128x128xf32>
    %dot_general3A_1131 = arith.constant dense<0.000000e+00> : vector<128x128xf32>
    %dot_general3A_1132 = tpu.matmul %get3A_1130, %squeeze3A_1122, %dot_general3A_1131 {dimension_numbers = #tpu.dot_dimension_numbers<[1], [1], [0], [0], [0, 0, 1, 0], [], []>, transpose_lhs_hint = false} : vector<128x128xf32>, vector<128x128xf32>, vector<128x128xf32> -> vector<128x128xf32>
    %add3A_1133 = vector.broadcast %squeeze3A_1127 : vector<1x128xf32> to vector<128x128xf32>
    %add3A_1134 = arith.addf %dot_general3A_1132, %add3A_1133 : vector<128x128xf32>
    %swap3A_1135 = arith.constant 5504 : index
    %swap3A_1136 = arith.constant 0 : index
    %swap3A_1137 = vector.load %arg5[%swap3A_1135, %swap3A_1136] : memref<6144x128xf32, #tpu.memory_space<vmem>>, vector<128x128xf32>
    tpu.vector_store %arg5[%swap3A_1135, %swap3A_1136], %add3A_1134 {strides = array<i32>} : memref<6144x128xf32, #tpu.memory_space<vmem>>, vector<128x128xf32>,
    %mul3A_1138 = arith.constant 48 : i32
    %mul3A_1139 = arith.muli %arg0, %mul3A_1138 : i32
    %add3A_1140 = arith.constant 44 : i32
    %add3A_1141 = arith.addi %mul3A_1139, %add3A_1140 : i32
    %get3A_1142 = arith.index_cast %add3A_1141 : i32 to index
    %get3A_1143 = memref.load %arg1[%get3A_1142] : memref<128xi32, #tpu.memory_space<smem>>
    %get3A_1144 = arith.index_cast %get3A_1143 : i32 to index
    %get3A_1145 = arith.constant 0 : index
    %get3A_1146 = arith.constant 0 : index
    %get3A_1147 = vector.load %arg3[%get3A_1144, %get3A_1145, %get3A_1146] : memref<64x128x128xf32, #tpu.memory_space<vmem>>, vector<1x128x128xf32>
    %squeeze3A_1148 = vector.shape_cast %get3A_1147 : vector<1x128x128xf32> to vector<128x128xf32>
    %get3A_1149 = arith.index_cast %get3A_1143 : i32 to index
    %get3A_1150 = arith.constant 0 : index
    %get3A_1151 = arith.constant 0 : index
    %get3A_1152 = vector.load %arg4[%get3A_1149, %get3A_1150, %get3A_1151] : memref<64x1x128xf32, #tpu.memory_space<vmem>>, vector<1x1x128xf32>
    %squeeze3A_1153 = vector.shape_cast %get3A_1152 : vector<1x1x128xf32> to vector<1x128xf32>
    %get3A_1154 = arith.constant 5632 : index
    %get3A_1155 = arith.constant 0 : index
    %get3A_1156 = vector.load %arg2[%get3A_1154, %get3A_1155] : memref<6144x128xf32, #tpu.memory_space<vmem>>, vector<128x128xf32>
    %dot_general3A_1157 = arith.constant dense<0.000000e+00> : vector<128x128xf32>
    %dot_general3A_1158 = tpu.matmul %get3A_1156, %squeeze3A_1148, %dot_general3A_1157 {dimension_numbers = #tpu.dot_dimension_numbers<[1], [1], [0], [0], [0, 0, 1, 0], [], []>, transpose_lhs_hint = false} : vector<128x128xf32>, vector<128x128xf32>, vector<128x128xf32> -> vector<128x128xf32>
    %add3A_1159 = vector.broadcast %squeeze3A_1153 : vector<1x128xf32> to vector<128x128xf32>
    %add3A_1160 = arith.addf %dot_general3A_1158, %add3A_1159 : vector<128x128xf32>
    %swap3A_1161 = arith.constant 5632 : index
    %swap3A_1162 = arith.constant 0 : index
    %swap3A_1163 = vector.load %arg5[%swap3A_1161, %swap3A_1162] : memref<6144x128xf32, #tpu.memory_space<vmem>>, vector<128x128xf32>
    tpu.vector_store %arg5[%swap3A_1161, %swap3A_1162], %add3A_1160 {strides = array<i32>} : memref<6144x128xf32, #tpu.memory_space<vmem>>, vector<128x128xf32>,
    %mul3A_1164 = arith.constant 48 : i32
    %mul3A_1165 = arith.muli %arg0, %mul3A_1164 : i32
    %add3A_1166 = arith.constant 45 : i32
    %add3A_1167 = arith.addi %mul3A_1165, %add3A_1166 : i32
    %get3A_1168 = arith.index_cast %add3A_1167 : i32 to index
    %get3A_1169 = memref.load %arg1[%get3A_1168] : memref<128xi32, #tpu.memory_space<smem>>
    %get3A_1170 = arith.index_cast %get3A_1169 : i32 to index
    %get3A_1171 = arith.constant 0 : index
    %get3A_1172 = arith.constant 0 : index
    %get3A_1173 = vector.load %arg3[%get3A_1170, %get3A_1171, %get3A_1172] : memref<64x128x128xf32, #tpu.memory_space<vmem>>, vector<1x128x128xf32>
    %squeeze3A_1174 = vector.shape_cast %get3A_1173 : vector<1x128x128xf32> to vector<128x128xf32>
    %get3A_1175 = arith.index_cast %get3A_1169 : i32 to index
    %get3A_1176 = arith.constant 0 : index
    %get3A_1177 = arith.constant 0 : index
    %get3A_1178 = vector.load %arg4[%get3A_1175, %get3A_1176, %get3A_1177] : memref<64x1x128xf32, #tpu.memory_space<vmem>>, vector<1x1x128xf32>
    %squeeze3A_1179 = vector.shape_cast %get3A_1178 : vector<1x1x128xf32> to vector<1x128xf32>
    %get3A_1180 = arith.constant 5760 : index
    %get3A_1181 = arith.constant 0 : index
    %get3A_1182 = vector.load %arg2[%get3A_1180, %get3A_1181] : memref<6144x128xf32, #tpu.memory_space<vmem>>, vector<128x128xf32>
    %dot_general3A_1183 = arith.constant dense<0.000000e+00> : vector<128x128xf32>
    %dot_general3A_1184 = tpu.matmul %get3A_1182, %squeeze3A_1174, %dot_general3A_1183 {dimension_numbers = #tpu.dot_dimension_numbers<[1], [1], [0], [0], [0, 0, 1, 0], [], []>, transpose_lhs_hint = false} : vector<128x128xf32>, vector<128x128xf32>, vector<128x128xf32> -> vector<128x128xf32>
    %add3A_1185 = vector.broadcast %squeeze3A_1179 : vector<1x128xf32> to vector<128x128xf32>
    %add3A_1186 = arith.addf %dot_general3A_1184, %add3A_1185 : vector<128x128xf32>
    %swap3A_1187 = arith.constant 5760 : index
    %swap3A_1188 = arith.constant 0 : index
    %swap3A_1189 = vector.load %arg5[%swap3A_1187, %swap3A_1188] : memref<6144x128xf32, #tpu.memory_space<vmem>>, vector<128x128xf32>
    tpu.vector_store %arg5[%swap3A_1187, %swap3A_1188], %add3A_1186 {strides = array<i32>} : memref<6144x128xf32, #tpu.memory_space<vmem>>, vector<128x128xf32>,
    %mul3A_1190 = arith.constant 48 : i32
    %mul3A_1191 = arith.muli %arg0, %mul3A_1190 : i32
    %add3A_1192 = arith.constant 46 : i32
    %add3A_1193 = arith.addi %mul3A_1191, %add3A_1192 : i32
    %get3A_1194 = arith.index_cast %add3A_1193 : i32 to index
    %get3A_1195 = memref.load %arg1[%get3A_1194] : memref<128xi32, #tpu.memory_space<smem>>
    %get3A_1196 = arith.index_cast %get3A_1195 : i32 to index
    %get3A_1197 = arith.constant 0 : index
    %get3A_1198 = arith.constant 0 : index
    %get3A_1199 = vector.load %arg3[%get3A_1196, %get3A_1197, %get3A_1198] : memref<64x128x128xf32, #tpu.memory_space<vmem>>, vector<1x128x128xf32>
    %squeeze3A_1200 = vector.shape_cast %get3A_1199 : vector<1x128x128xf32> to vector<128x128xf32>
    %get3A_1201 = arith.index_cast %get3A_1195 : i32 to index
    %get3A_1202 = arith.constant 0 : index
    %get3A_1203 = arith.constant 0 : index
    %get3A_1204 = vector.load %arg4[%get3A_1201, %get3A_1202, %get3A_1203] : memref<64x1x128xf32, #tpu.memory_space<vmem>>, vector<1x1x128xf32>
    %squeeze3A_1205 = vector.shape_cast %get3A_1204 : vector<1x1x128xf32> to vector<1x128xf32>
    %get3A_1206 = arith.constant 5888 : index
    %get3A_1207 = arith.constant 0 : index
    %get3A_1208 = vector.load %arg2[%get3A_1206, %get3A_1207] : memref<6144x128xf32, #tpu.memory_space<vmem>>, vector<128x128xf32>
    %dot_general3A_1209 = arith.constant dense<0.000000e+00> : vector<128x128xf32>
    %dot_general3A_1210 = tpu.matmul %get3A_1208, %squeeze3A_1200, %dot_general3A_1209 {dimension_numbers = #tpu.dot_dimension_numbers<[1], [1], [0], [0], [0, 0, 1, 0], [], []>, transpose_lhs_hint = false} : vector<128x128xf32>, vector<128x128xf32>, vector<128x128xf32> -> vector<128x128xf32>
    %add3A_1211 = vector.broadcast %squeeze3A_1205 : vector<1x128xf32> to vector<128x128xf32>
    %add3A_1212 = arith.addf %dot_general3A_1210, %add3A_1211 : vector<128x128xf32>
    %swap3A_1213 = arith.constant 5888 : index
    %swap3A_1214 = arith.constant 0 : index
    %swap3A_1215 = vector.load %arg5[%swap3A_1213, %swap3A_1214] : memref<6144x128xf32, #tpu.memory_space<vmem>>, vector<128x128xf32>
    tpu.vector_store %arg5[%swap3A_1213, %swap3A_1214], %add3A_1212 {strides = array<i32>} : memref<6144x128xf32, #tpu.memory_space<vmem>>, vector<128x128xf32>,
    %mul3A_1216 = arith.constant 48 : i32
    %mul3A_1217 = arith.muli %arg0, %mul3A_1216 : i32
    %add3A_1218 = arith.constant 47 : i32
    %add3A_1219 = arith.addi %mul3A_1217, %add3A_1218 : i32
    %get3A_1220 = arith.index_cast %add3A_1219 : i32 to index
    %get3A_1221 = memref.load %arg1[%get3A_1220] : memref<128xi32, #tpu.memory_space<smem>>
    %get3A_1222 = arith.index_cast %get3A_1221 : i32 to index
    %get3A_1223 = arith.constant 0 : index
    %get3A_1224 = arith.constant 0 : index
    %get3A_1225 = vector.load %arg3[%get3A_1222, %get3A_1223, %get3A_1224] : memref<64x128x128xf32, #tpu.memory_space<vmem>>, vector<1x128x128xf32>
    %squeeze3A_1226 = vector.shape_cast %get3A_1225 : vector<1x128x128xf32> to vector<128x128xf32>
    %get3A_1227 = arith.index_cast %get3A_1221 : i32 to index
    %get3A_1228 = arith.constant 0 : index
    %get3A_1229 = arith.constant 0 : index
    %get3A_1230 = vector.load %arg4[%get3A_1227, %get3A_1228, %get3A_1229] : memref<64x1x128xf32, #tpu.memory_space<vmem>>, vector<1x1x128xf32>
    %squeeze3A_1231 = vector.shape_cast %get3A_1230 : vector<1x1x128xf32> to vector<1x128xf32>
    %get3A_1232 = arith.constant 6016 : index
    %get3A_1233 = arith.constant 0 : index
    %get3A_1234 = vector.load %arg2[%get3A_1232, %get3A_1233] : memref<6144x128xf32, #tpu.memory_space<vmem>>, vector<128x128xf32>
    %dot_general3A_1235 = arith.constant dense<0.000000e+00> : vector<128x128xf32>
    %dot_general3A_1236 = tpu.matmul %get3A_1234, %squeeze3A_1226, %dot_general3A_1235 {dimension_numbers = #tpu.dot_dimension_numbers<[1], [1], [0], [0], [0, 0, 1, 0], [], []>, transpose_lhs_hint = false} : vector<128x128xf32>, vector<128x128xf32>, vector<128x128xf32> -> vector<128x128xf32>
    %add3A_1237 = vector.broadcast %squeeze3A_1231 : vector<1x128xf32> to vector<128x128xf32>
    %add3A_1238 = arith.addf %dot_general3A_1236, %add3A_1237 : vector<128x128xf32>
    %swap3A_1239 = arith.constant 6016 : index
    %swap3A_1240 = arith.constant 0 : index
    %swap3A_1241 = vector.load %arg5[%swap3A_1239, %swap3A_1240] : memref<6144x128xf32, #tpu.memory_space<vmem>>, vector<128x128xf32>
    tpu.vector_store %arg5[%swap3A_1239, %swap3A_1240], %add3A_1238 {strides = array<i32>} : memref<6144x128xf32, #tpu.memory_space<vmem>>, vector<128x128xf32>,
    return
  }
  func.func @transform_0(%arg0: i32) -> i32 {
    %c0_i32 = arith.constant 0 : i32
    %c0_i32_0 = arith.constant 0 : i32
    return %c0_i32 : i32
  }
  func.func @transform_1(%arg0: i32) -> (i32, i32) {
    %c0_i32 = arith.constant 0 : i32
    %c0_i32_0 = arith.constant 0 : i32
    return %arg0, %c0_i32 : i32, i32
  }
  func.func @transform_2(%arg0: i32) -> (i32, i32, i32) {
    %c0_i32 = arith.constant 0 : i32
    %c0_i32_0 = arith.constant 0 : i32
    %c0_i32_1 = arith.constant 0 : i32
    %c0_i32_2 = arith.constant 0 : i32
    return %c0_i32, %c0_i32_0, %c0_i32_1 : i32, i32, i32
  }
  func.func @transform_3(%arg0: i32) -> (i32, i32, i32) {
    %c0_i32 = arith.constant 0 : i32
    %c0_i32_0 = arith.constant 0 : i32
    %c0_i32_1 = arith.constant 0 : i32
    %c0_i32_2 = arith.constant 0 : i32
    return %c0_i32, %c0_i32_0, %c0_i32_1 : i32, i32, i32
  }
  func.func @transform_4(%arg0: i32) -> (i32, i32) {
    %c0_i32 = arith.constant 0 : i32
    %c0_i32_0 = arith.constant 0 : i32
    return %arg0, %c0_i32 : i32, i32
  }
}

</mosaic_0001>

<sc_bundles>
// kernel: kernel.6.cloned.1.call-start
scs
__scs_entry_jumppad:
0x0: {  	(pc) =	sbr.rel $0x88, $3  }
0x1: {  	(tag) =	ssettag $0x0;
	lr =	simm.s32 $0x1  }
0x2: {  	[smem:$0x3F9C] =	sst lr;
	_ =	strace $0xD0000000  }
0x3: {  	_ = 	snop  }
0x4: {  	_ = 	snop  }
0x5: {  	_ = 	snop  }
0x6: {  	_ = 	snop  }
0x7: {  	_ = 	snop  }
__scs_overlays_trampoline_lowered:
0x8: {  	[smem:$0x3FAB] =	sst s0  }
0x9: {  	[smem:$0x3FAC] =	sst s1  }
0xa: {  	[smem:$0x3FAD] =	sst s2  }
0xb: {  	[smem:$0x3FAE] =	sst s3  }
0xc: {  	[smem:$0x3FAF] =	sst s4  }
0xd: {  	[smem:$0x3FB0] =	sst s5  }
0xe: {  	[smem:$0x3FB1] =	sst s6  }
0xf: {  	[smem:$0x3FB2] =	sst s7  }
0x10: {  	[smem:$0x3FB3] =	sst s8  }
0x11: {  	[smem:$0x3FB4] =	sst s9;
	s0 =	simm.s32 @!p0 $0x0  }
0x12: {  	s1 =	sld [smem:$0x3F9A];
	s0 =	simm.s32 @p0 $0x1  }
0x13: {  	[smem:$0x3FB5] =	sst s0;
	s0 =	simm.s32 @!p1 $0x0  }
0x14: {  	s2 =	sld [smem:$0x3F99];
	s0 =	simm.s32 @p1 $0x1  }
0x15: {  	[smem:$0x3FB6] =	sst s0;
	s0 =	simm.s32 @!p2 $0x0  }
0x16: {  	s3 =	sld [smem:$0x3FDB];
	s0 =	simm.s32 @p2 $0x1  }
0x17: {  	s4 =	simm.s32 $0x1BF5;
	[smem:$0x3FB8] =	sst s0  }
0x18: {  	s0 =	sld [smem:$0x3F9B];
	_ =	swait.ge [sflag:s4], $0x0  }
0x19: {  	s7 =	sld [smem:$0x3F9C]  }
0x1a: {  	s8 =	sadd.s32 $0xFFFFE003, lr  }
0x1b: {  	s9 =	sadd.s32 $0xFFFFFEF7, lr;
	s5 =	simm.s32 $0xFFFFFFFF;
	p2 =	slt.u32 s8, $0xFFFFF086  }
0x1c: {  	p1 =	slt.u32 s9, $0xF7A;
	s5 =	simm.s32 @!p2 $0x0  }
0x1d: {  	s5 =	simm.s32 @p1 $0x1;
	p0 =	seq.s32 s7, s2  }
0x1e: {  	s7 =	smul.u32 @!p0 $0xF7A, s2;
	p2 =	seq.s32 @!p0 s5, $0x0  }
0x1f: {  	s9 =	smul.u32 $0xF7A, s1;
	s8 =	simm.s32 @!p0 $0x1BF5;
	p2 =	por !p2, p0  }
0x20: {  	[sflag:s8] =	ssyncset.s32 @!p0 $0xFFFFF086;
	s6 =	sadd.s32 @!p0 s3, s7;
	s7 =	simm.s32 @!p0 $0x108  }
0x21: {  	s3 =	sadd.s32 s3, s9;
	s6 =	sadd.s32 @!p0 $0x88, s6;
	s7 =	simm.s32 @p2 $0x1082  }
0x22: {  	[simem:s7], [sflag:s8] =	dma.local @!p0 [hbm:s6], $0xF7A  }
0x23: {  	s9 =	sor.u32 $0xD0000000, s2;
	s6 =	simm.s32 $0x108;
	_ =	swait.ge @!p0 [sflag:s8], $0x0  }
0x24: {  	s3 =	sadd.s32 $0x88, s3;
	s6 =	simm.s32 @!p1 $0x1082;
	[sflag:s4] =	ssyncset.s32 $0xFFFFF086  }
0x25: {  	[simem:s6], [sflag:s4] =	dma.local [hbm:s3], $0xF7A  }
0x26: {  	[smem:$0x3F9C] =	sst s1;
	(tag) =	ssettag s2;
	_ =	strace s9  }
0x27: {  	s1 =	sld [smem:$0x3FAC]  }
0x28: {  	s2 =	sld [smem:$0x3FAD]  }
0x29: {  	s4 =	sld [smem:$0x3FAF]  }
0x2a: {  	p0 =	seq.s32 s5, $0x0;
	s5 =	sld [smem:$0x3FB0]  }
0x2b: {  	s6 =	sld [smem:$0x3FB1]  }
0x2c: {  	s7 =	sld [smem:$0x3FB2]  }
0x2d: {  	s3 =	simm.s32 $0x108;
	s8 =	sld [smem:$0x3FB3]  }
0x2e: {  	s3 =	simm.s32 @!p0 $0x1082;
	s9 =	sld [smem:$0x3FB4]  }
0x2f: {  	lr =	sadd.s32 s0, s3;
	s0 =	sld [smem:$0x3FAB]  }
0x30: {  	s3 =	sld [smem:$0x3FAE]  }
0x31: {  	[smem:$0x3FB7] =	sst s10  }
0x32: {  	s10 =	sld [smem:$0x3FB5];
	_ =	sdelay $0x3  }
0x33: {  	p0 =	seq.s32 s10, $0x1;
	s10 =	sld [smem:$0x3FB7];
	_ =	sdelay $0x3  }
0x34: {  	[smem:$0x3FB7] =	sst s10  }
0x35: {  	s10 =	sld [smem:$0x3FB6];
	_ =	sdelay $0x3  }
0x36: {  	p1 =	seq.s32 s10, $0x1;
	s10 =	sld [smem:$0x3FB7];
	_ =	sdelay $0x3  }
0x37: {  	[smem:$0x3FB7] =	sst s10  }
0x38: {  	s10 =	sld [smem:$0x3FB8]  }
0x39: {  	_ = 	snop;
	(pc) =	sbr.ind lr, $3  }
0x3a: {  	_ = 	snop  }
0x3b: {  	_ = 	snop  }
0x3c: {  	p2 =	seq.s32 s10, $0x1;
	s10 =	sld [smem:$0x3FB7]  }
0x3d: {  	_ =	shalt  }
0x3e: {  	_ =	shalt  }
0x3f: {  	_ =	shalt  }
0x40: {  	_ =	shalt  }
0x41: {  	_ =	shalt  }
0x42: {  	_ =	shalt  }
0x43: {  	_ =	shalt  }
0x44: {  	_ =	shalt  }
0x45: {  	_ =	shalt  }
0x46: {  	_ =	shalt  }
0x47: {  	_ =	shalt  }
0x48: {  	_ =	shalt  }
0x49: {  	_ =	shalt  }
0x4a: {  	_ =	shalt  }
0x4b: {  	_ =	shalt  }
0x4c: {  	_ =	shalt  }
0x4d: {  	_ =	shalt  }
0x4e: {  	_ =	shalt  }
0x4f: {  	_ =	shalt  }
0x50: {  	_ =	shalt  }
0x51: {  	_ =	shalt  }
0x52: {  	_ =	shalt  }
0x53: {  	_ =	shalt  }
0x54: {  	_ =	shalt  }
0x55: {  	_ =	shalt  }
0x56: {  	_ =	shalt  }
0x57: {  	_ =	shalt  }
0x58: {  	_ =	shalt  }
0x59: {  	_ =	shalt  }
0x5a: {  	_ =	shalt  }
0x5b: {  	_ =	shalt  }
0x5c: {  	_ =	shalt  }
0x5d: {  	_ =	shalt  }
0x5e: {  	_ =	shalt  }
0x5f: {  	_ =	shalt  }
0x60: {  	_ =	shalt  }
0x61: {  	_ =	shalt  }
0x62: {  	_ =	shalt  }
0x63: {  	_ =	shalt  }
0x64: {  	_ =	shalt  }
0x65: {  	_ =	shalt  }
0x66: {  	_ =	shalt  }
0x67: {  	_ =	shalt  }
0x68: {  	_ =	shalt  }
0x69: {  	_ =	shalt  }
0x6a: {  	_ =	shalt  }
0x6b: {  	_ =	shalt  }
0x6c: {  	_ =	shalt  }
0x6d: {  	_ =	shalt  }
0x6e: {  	_ =	shalt  }
0x6f: {  	_ =	shalt  }
0x70: {  	_ =	shalt  }
0x71: {  	_ =	shalt  }
0x72: {  	_ =	shalt  }
0x73: {  	_ =	shalt  }
0x74: {  	_ =	shalt  }
0x75: {  	_ =	shalt  }
0x76: {  	_ =	shalt  }
0x77: {  	_ =	shalt  }
0x78: {  	_ =	shalt  }
0x79: {  	_ =	shalt  }
0x7a: {  	_ =	shalt  }
0x7b: {  	_ =	shalt  }
0x7c: {  	_ =	shalt  }
0x7d: {  	_ =	shalt  }
0x7e: {  	_ =	shalt  }
0x7f: {  	_ =	shalt  }
0x80: {  	_ =	shalt  }
0x81: {  	_ =	shalt  }
0x82: {  	_ =	shalt  }
0x83: {  	_ =	shalt  }
0x84: {  	_ =	shalt  }
0x85: {  	_ =	shalt  }
0x86: {  	_ =	shalt  }
0x87: {  	_ =	shalt  }
.Lfunc_end0:
.L_simem_size_0:
called_computation_lowered:
.L_overlay_start_0:
0x88: {  	s2 =	sld [smem:$0x3FD9]  }
0x89: {  	s3 =	sld [smem:$0x3FFE];
	_ =	sdelay $0x1  }
0x8a: {  	s1 =	srdreg.scid  }
0x8b: {  	s0 =	sand.u32 $0x1, s1  }
0x8c: {  	s17 =	sshll.u32 s0, $0xA;
	s2 =	sadd.s32 s3, s2  }
0x8d: {  	s2 =	sadd.s32 s2, s17  }
0x8e: {  	[smem:$0x3FC3] =	sst s2  }
0x8f: {  	_ = 	snop  }
0x90: {  	s2 =	sld [smem:$0x3FC9];
	(tm) =	ssettm $0x1  }
0x91: {  	s18 =	sld [smem:$0x3FFB];
	_ =	sdelay $0x3  }
0x92: {  	_ =	strace s18  }
0x93: {  	s3 =	sld [smem:$0x3FFC];
	_ =	sdelay $0x3  }
0x94: {  	_ =	strace s3  }
0x95: {  	s3 =	sld [smem:$0x3FFD];
	_ =	sdelay $0x3  }
0x96: {  	_ =	strace s3  }
0x97: {  	_ =	strace $0x8FFFFFFF  }
0x98: {  	s19 =	sld [smem:$0x3FDB];
	_ =	sdelay $0x1  }
0x99: {  	s4 =	simm.s32 $_scs_section_size  }
0x9a: {  	s5 =	simm.s32 $_size__tile_overlayer_lowered;
	s6 =	simm.s32 $_tile_overlayer_lowered  }
0x9b: {  	s22 =	simm.s32 $0x1BFF;
	s21 =	sshll.u32 s6, $0x1;
	s3 =	sadd.s32 s4, s19  }
0x9c: {  	s7 =	simm.s32 $0x0;
	s20 =	sshll.u32 s5, $0x1;
	s5 =	sadd.s32 s21, s3  }
0x9d: {  	[timem:s7], [sflag:s22] =	dma.local [hbm:s5], s20  }
0x9e: {  	_ =	swait.ge [sflag:s22], s20  }
0x9f: {  	s4 =	ssub.s32 $0x0, s20;
	[sflag:s22] =	ssyncset.done $0x0  }
0xa0: {  	[sflag:s22] =	ssyncadd.s32 s4;
	_ =	sdelay $0x1  }
0xa1: {  	s23 =	simm.s32 $0x1B8B  }
0xa2: {  	_ =	swait.ge [sflag:s23], $0x1  }
0xa3: {  	[sflag:s23] =	ssyncset.done $0x0  }
0xa4: {  	s25 =	simm.s32 $0x1B8E;
	s24 =	sld [smem:$0x3FFE];
	[sflag:s23] =	ssyncadd.s32 $0xFFFFFFFF  }
0xa5: {  	s26 =	simm.s32 $execute0_lowered;
	[smem:$0x3FD2] =	sst s25  }
0xa6: {  	s5 =	sshll.u32 s26, $0x1;
	_ =	strace $0x80000046;
	[dreg:$0x1] =	wrdreg $0xFFFFFFFF  }
0xa7: {  	s28 =	simm.s32 $_size_execute0_lowered;
	s3 =	sadd.s32 s3, s5;
	[dreg:$0x0] =	wrdreg $0x0  }
0xa8: {  	s5 =	sshll.u32 s28, $0x1;
	[dreg:$0x2] =	wrdreg s3  }
0xa9: {  	[dreg:$0x3] =	wrdreg s5  }
0xaa: {  	[dreg:$0x4] =	wrdreg $0xC0  }
0xab: {  	_ =	task [dreg:s7], $0x5FFFF  }
0xac: {  	[dreg:$0x1] =	wrdreg $0xFFFFFFFF  }
0xad: {  	[dreg:$0x0] =	wrdreg $0x60  }
0xae: {  	[dreg:$0x2] =	wrdreg s2  }
0xaf: {  	[dreg:$0x3] =	wrdreg s24  }
0xb0: {  	[dreg:$0x4] =	wrdreg $0x9  }
0xb1: {  	_ =	task.clear_ibuf [dreg:s7], $0x5FFFF;
	_ =	strace $0x90000046  }
0xb2: {  	s29 =	simm.s32 $0x9;
	_ =	strace $0x80000048  }
0xb3: {  	_ =	swait.ge [sflag:s29], $0x1  }
0xb4: {  	[sflag:s29] =	ssyncadd.s32 $0xFFFFFFFF  }
0xb5: {  	_ =	strace $0x90000048  }
0xb6: {  	_ =	sfence  }
0xb7: {  	s30 =	sld [smem:$0x0];
	_ =	sdelay $0x2  }
0xb8: {  	s31 =	sshll.u32 s1, $0xD;
	s1 =	sshrl.u32 s1, $0x2  }
0xb9: {  	s3 =	sand.u32 $0x4000, s31;
	s1 =	sadd.s32 s1, s30  }
0xba: {  	s0 =	sor.u32 s3, s0;
	s1 =	sshll.u32 s1, $0x11  }
0xbb: {  	s0 =	sor.u32 s1, s0  }
0xbc: {  	s0 =	sadd.s32 $0x8F2B, s0  }
0xbd: {  	[sflag:s0] =	ssyncadd.remote.s32 $0x1  }
0xbe: {  	_ =	sfence.sel $0xFFFF  }
0xbf: {  	[dreg:$0x0] =	wrdreg $0xFFFFFFFF;
	(pc) =	sbr.abs _section_cstart, $3  }
0xc0: {  	[dreg:$0x1] =	wrdreg $0xFFFFFFFF  }
0xc1: {  	_ =	task.clear_ibuf [dreg:s7], $0x2FFFF;
	_ =	strace $0x9FFFFFFF  }
0xc2: {  	(tm) =	ssettm $0x7FFFFFFF  }
0xc3: {  	_ =	shalt  }
tec
execute0_lowered:
.L_overlay_start_1:
0x0: {  	(tag) =	ssettag $0x1  }
0x1: {  	s1 =	srdreg.scid  }
0x2: {  	s0 =	stileid.u32;
	s7 =	sand.u32 $0x1, s1  }
0x3: {  	s4 =	rddreg [dreg:$0x0];
	s31 =	sshll.u32 s0, $0x8;
	s2 =	sshll.u32 s7, $0x7  }
0x4: {  	s8 =	rddreg [dreg:$0x1];
	s5 =	sor.u32 s2, s31  }
0x5: {  	s1 =	rddreg [dreg:$0x2];
	s2 =	simm.s32 $0x0;
	s3 =	sshrl.u32 s5, $0x3  }
0x6: {  	s6 =	simm.s32 $0x80;
	[smem:$0x7FF] =	sst s2;
	s3 =	sadd.s32 s3, s8  }
0x7: {  	s5 =	sshll.u32 s5, $0x4;
	_ =	strace $0x80000047;
	s3 =	sadd.s32 $0x1800, s3  }
0x8: {  	[tilespmem:s2], [sflag:$0x1] =	stream.linear.gather [hbm4b:s3+s2], $0x80, $0x38;
	[tilespmem:$0x4080] =	vst v63  }
0x9: {  	s9 =	ssub.s32 $0x2, s7;
	s4 =	sadd.s32 s4, s5;
	s5 =	simm.s32 $0x1  }
0xa: {  	[tilespmem:s6], [sflag:$0x2] =	stream.linear.gather [hbm4b:s4+s2], $0x4000, $0x38;
	[tilespmem:$0x4080] =	vst v63  }
0xb: {  	s10 =	sshrl.u32 s9, $0x1;
	_ =	swait.ge [sflag:s5], $0x80  }
0xc: {  	s9 =	ssub.s32 s9, s10;
	[sflag:s5] =	ssyncset.done $0x0  }
0xd: {  	s7 =	simm.s32 $0x2;
	s9 =	smax.u32 s9, $0x1;
	[sflag:s5] =	ssyncadd.s32 $0xFFFFFF80  }
0xe: {  	p0 =	sne.s32 s9, $0x1;
	_ =	swait.ge [sflag:s7], $0x4000  }
.Ltmp0:
0xf: {  	[sflag:s7] =	ssyncset.done $0x0;
	(pc) =	sbr.rel @!p0 .LBB2_2-.Ltmp0, $4  }
0x10: {  	s8 =	sadd.s32 $0x1A00, s8;
	[sflag:s7] =	ssyncadd.s32 $0xFFFFC000  }
0x11: {  	[hbm4b:s8+s6] =	stream.indirect.scatter [tilespmem:s6], [sflag:$0x1], $0x80, s2, s6, $0xb8;
	[tilespmem:$0x4080] =	vst v63  }
0x12: {  	_ =	swait.ge [sflag:s5], $0x4000  }
0x13: {  	s9 =	sadd.s32 $0xFFFFFFFF, s9;
	[sflag:s5] =	ssyncset.done $0x0  }
.LBB2_1:
0x14: {  	p0 =	sne.s32 s9, $0x1;
	s9 =	sadd.s32 $0xFFFFFFFF, s9;
	[sflag:s5] =	ssyncadd.s32 $0xFFFFC000  }
0x15: {  	[tilespmem:s2], [sflag:$0x1] =	stream.linear.gather [hbm4b:s3+s2], $0x80, $0x38;
	[tilespmem:$0x4080] =	vst v63  }
0x16: {  	_ = 	snop  }
0x17: {  	[tilespmem:s6], [sflag:$0x2] =	stream.linear.gather [hbm4b:s4+s2], $0x4000, $0x38;
	[tilespmem:$0x4080] =	vst v63  }
0x18: {  	_ =	swait.ge [sflag:s5], $0x80  }
0x19: {  	[sflag:s5] =	ssyncset.done $0x0  }
0x1a: {  	[sflag:s5] =	ssyncadd.s32 $0xFFFFFF80  }
0x1b: {  	_ =	swait.ge [sflag:s7], $0x4000  }
.Ltmp1:
0x1c: {  	[sflag:s7] =	ssyncset.done $0x0;
	(pc) =	sbr.rel @p0 .LBB2_1-.Ltmp1, $4  }
0x1d: {  	[sflag:s7] =	ssyncadd.s32 $0xFFFFC000  }
0x1e: {  	[hbm4b:s8+s6] =	stream.indirect.scatter [tilespmem:s6], [sflag:$0x1], $0x80, s2, s6, $0xb8;
	[tilespmem:$0x4080] =	vst v63  }
0x1f: {  	_ =	swait.ge [sflag:s5], $0x4000  }
0x20: {  	[sflag:s5] =	ssyncset.done $0x0  }
.LBB2_2:
0x21: {  	[sflag:s5] =	ssyncadd.s32 $0xFFFFC000  }
0x22: {  	_ =	sfence.sel $0x180000  }
0x23: {  	[bflag:$0x0] =	sbarrier.arrive $0xFFFF  }
0x24: {  	p0 =	sne.s32 s0, $0x0;
	_ =	strace $0x90000047  }
0x25: {  	s0 =	sadd.s32 @!p0 $0x100000, s1;
	[bflag:$0x2] =	sbarrier.arrive $0xFFFF  }
0x26: {  	[sflag:s0] =	ssyncadd.tile.s32 @!p0 $0x1;
	_ =	shalt  }
.Lfunc_end2:
_tile_overlayer_lowered:
.L_overlay_start_2:
0x27: {  	(tag) =	ssettag $0x2  }
0x28: {  	s0 =	rddreg [dreg:$0x0];
	s2 =	stileid.u32  }
0x29: {  	s1 =	rddreg [dreg:$0x1];
	p0 =	sne.s32 s2, $0x0  }
0x2a: {  	s3 =	rddreg [dreg:$0x2];
	[bflag:$0x3] =	sbarrier.arrive $0xFFFF;
	s2 =	simm.s32 @!p0 $0x1C03  }
0x2b: {  	[timem:s3], [sflag:s2] =	dma.local @!p0 [hbm:s0], s1  }
0x2c: {  	s0 =	simm.s32 @!p0 $0x3  }
0x2d: {  	_ =	swait.ge @!p0 [sflag:s0], s1  }
0x2e: {  	s1 =	ssub.s32 @!p0 $0x0, s1;
	[sflag:s0] =	ssyncset.done @!p0 $0x0  }
0x2f: {  	[sflag:s0] =	ssyncadd.s32 @!p0 s1  }
0x30: {  	[bflag:$0x3] =	sbarrier.arrive $0xFFFF  }
0x31: {  	_ =	shalt  }

// kernel: kernel.9.cloned.1.call-start
scs
__scs_entry_jumppad:
0x0: {  	(pc) =	sbr.rel $0x88, $3  }
0x1: {  	(tag) =	ssettag $0x0;
	lr =	simm.s32 $0x1  }
0x2: {  	[smem:$0x3F9C] =	sst lr;
	_ =	strace $0xD0000000  }
0x3: {  	_ = 	snop  }
0x4: {  	_ = 	snop  }
0x5: {  	_ = 	snop  }
0x6: {  	_ = 	snop  }
0x7: {  	_ = 	snop  }
__scs_overlays_trampoline_lowered:
0x8: {  	[smem:$0x3FAB] =	sst s0  }
0x9: {  	[smem:$0x3FAC] =	sst s1  }
0xa: {  	[smem:$0x3FAD] =	sst s2  }
0xb: {  	[smem:$0x3FAE] =	sst s3  }
0xc: {  	[smem:$0x3FAF] =	sst s4  }
0xd: {  	[smem:$0x3FB0] =	sst s5  }
0xe: {  	[smem:$0x3FB1] =	sst s6  }
0xf: {  	[smem:$0x3FB2] =	sst s7  }
0x10: {  	[smem:$0x3FB3] =	sst s8  }
0x11: {  	[smem:$0x3FB4] =	sst s9;
	s0 =	simm.s32 @!p0 $0x0  }
0x12: {  	s1 =	sld [smem:$0x3F9A];
	s0 =	simm.s32 @p0 $0x1  }
0x13: {  	[smem:$0x3FB5] =	sst s0;
	s0 =	simm.s32 @!p1 $0x0  }
0x14: {  	s2 =	sld [smem:$0x3F99];
	s0 =	simm.s32 @p1 $0x1  }
0x15: {  	[smem:$0x3FB6] =	sst s0;
	s0 =	simm.s32 @!p2 $0x0  }
0x16: {  	s3 =	sld [smem:$0x3FDB];
	s0 =	simm.s32 @p2 $0x1  }
0x17: {  	s4 =	simm.s32 $0x1BF5;
	[smem:$0x3FB8] =	sst s0  }
0x18: {  	s0 =	sld [smem:$0x3F9B];
	_ =	swait.ge [sflag:s4], $0x0  }
0x19: {  	s7 =	sld [smem:$0x3F9C]  }
0x1a: {  	s8 =	sadd.s32 $0xFFFFE003, lr  }
0x1b: {  	s9 =	sadd.s32 $0xFFFFFEF7, lr;
	s5 =	simm.s32 $0xFFFFFFFF;
	p2 =	slt.u32 s8, $0xFFFFF086  }
0x1c: {  	p1 =	slt.u32 s9, $0xF7A;
	s5 =	simm.s32 @!p2 $0x0  }
0x1d: {  	s5 =	simm.s32 @p1 $0x1;
	p0 =	seq.s32 s7, s2  }
0x1e: {  	s7 =	smul.u32 @!p0 $0xF7A, s2;
	p2 =	seq.s32 @!p0 s5, $0x0  }
0x1f: {  	s9 =	smul.u32 $0xF7A, s1;
	s8 =	simm.s32 @!p0 $0x1BF5;
	p2 =	por !p2, p0  }
0x20: {  	[sflag:s8] =	ssyncset.s32 @!p0 $0xFFFFF086;
	s6 =	sadd.s32 @!p0 s3, s7;
	s7 =	simm.s32 @!p0 $0x108  }
0x21: {  	s3 =	sadd.s32 s3, s9;
	s6 =	sadd.s32 @!p0 $0x88, s6;
	s7 =	simm.s32 @p2 $0x1082  }
0x22: {  	[simem:s7], [sflag:s8] =	dma.local @!p0 [hbm:s6], $0xF7A  }
0x23: {  	s9 =	sor.u32 $0xD0000000, s2;
	s6 =	simm.s32 $0x108;
	_ =	swait.ge @!p0 [sflag:s8], $0x0  }
0x24: {  	s3 =	sadd.s32 $0x88, s3;
	s6 =	simm.s32 @!p1 $0x1082;
	[sflag:s4] =	ssyncset.s32 $0xFFFFF086  }
0x25: {  	[simem:s6], [sflag:s4] =	dma.local [hbm:s3], $0xF7A  }
0x26: {  	[smem:$0x3F9C] =	sst s1;
	(tag) =	ssettag s2;
	_ =	strace s9  }
0x27: {  	s1 =	sld [smem:$0x3FAC]  }
0x28: {  	s2 =	sld [smem:$0x3FAD]  }
0x29: {  	s4 =	sld [smem:$0x3FAF]  }
0x2a: {  	p0 =	seq.s32 s5, $0x0;
	s5 =	sld [smem:$0x3FB0]  }
0x2b: {  	s6 =	sld [smem:$0x3FB1]  }
0x2c: {  	s7 =	sld [smem:$0x3FB2]  }
0x2d: {  	s3 =	simm.s32 $0x108;
	s8 =	sld [smem:$0x3FB3]  }
0x2e: {  	s3 =	simm.s32 @!p0 $0x1082;
	s9 =	sld [smem:$0x3FB4]  }
0x2f: {  	lr =	sadd.s32 s0, s3;
	s0 =	sld [smem:$0x3FAB]  }
0x30: {  	s3 =	sld [smem:$0x3FAE]  }
0x31: {  	[smem:$0x3FB7] =	sst s10  }
0x32: {  	s10 =	sld [smem:$0x3FB5];
	_ =	sdelay $0x3  }
0x33: {  	p0 =	seq.s32 s10, $0x1;
	s10 =	sld [smem:$0x3FB7];
	_ =	sdelay $0x3  }
0x34: {  	[smem:$0x3FB7] =	sst s10  }
0x35: {  	s10 =	sld [smem:$0x3FB6];
	_ =	sdelay $0x3  }
0x36: {  	p1 =	seq.s32 s10, $0x1;
	s10 =	sld [smem:$0x3FB7];
	_ =	sdelay $0x3  }
0x37: {  	[smem:$0x3FB7] =	sst s10  }
0x38: {  	s10 =	sld [smem:$0x3FB8]  }
0x39: {  	_ = 	snop;
	(pc) =	sbr.ind lr, $3  }
0x3a: {  	_ = 	snop  }
0x3b: {  	_ = 	snop  }
0x3c: {  	p2 =	seq.s32 s10, $0x1;
	s10 =	sld [smem:$0x3FB7]  }
0x3d: {  	_ =	shalt  }
0x3e: {  	_ =	shalt  }
0x3f: {  	_ =	shalt  }
0x40: {  	_ =	shalt  }
0x41: {  	_ =	shalt  }
0x42: {  	_ =	shalt  }
0x43: {  	_ =	shalt  }
0x44: {  	_ =	shalt  }
0x45: {  	_ =	shalt  }
0x46: {  	_ =	shalt  }
0x47: {  	_ =	shalt  }
0x48: {  	_ =	shalt  }
0x49: {  	_ =	shalt  }
0x4a: {  	_ =	shalt  }
0x4b: {  	_ =	shalt  }
0x4c: {  	_ =	shalt  }
0x4d: {  	_ =	shalt  }
0x4e: {  	_ =	shalt  }
0x4f: {  	_ =	shalt  }
0x50: {  	_ =	shalt  }
0x51: {  	_ =	shalt  }
0x52: {  	_ =	shalt  }
0x53: {  	_ =	shalt  }
0x54: {  	_ =	shalt  }
0x55: {  	_ =	shalt  }
0x56: {  	_ =	shalt  }
0x57: {  	_ =	shalt  }
0x58: {  	_ =	shalt  }
0x59: {  	_ =	shalt  }
0x5a: {  	_ =	shalt  }
0x5b: {  	_ =	shalt  }
0x5c: {  	_ =	shalt  }
0x5d: {  	_ =	shalt  }
0x5e: {  	_ =	shalt  }
0x5f: {  	_ =	shalt  }
0x60: {  	_ =	shalt  }
0x61: {  	_ =	shalt  }
0x62: {  	_ =	shalt  }
0x63: {  	_ =	shalt  }
0x64: {  	_ =	shalt  }
0x65: {  	_ =	shalt  }
0x66: {  	_ =	shalt  }
0x67: {  	_ =	shalt  }
0x68: {  	_ =	shalt  }
0x69: {  	_ =	shalt  }
0x6a: {  	_ =	shalt  }
0x6b: {  	_ =	shalt  }
0x6c: {  	_ =	shalt  }
0x6d: {  	_ =	shalt  }
0x6e: {  	_ =	shalt  }
0x6f: {  	_ =	shalt  }
0x70: {  	_ =	shalt  }
0x71: {  	_ =	shalt  }
0x72: {  	_ =	shalt  }
0x73: {  	_ =	shalt  }
0x74: {  	_ =	shalt  }
0x75: {  	_ =	shalt  }
0x76: {  	_ =	shalt  }
0x77: {  	_ =	shalt  }
0x78: {  	_ =	shalt  }
0x79: {  	_ =	shalt  }
0x7a: {  	_ =	shalt  }
0x7b: {  	_ =	shalt  }
0x7c: {  	_ =	shalt  }
0x7d: {  	_ =	shalt  }
0x7e: {  	_ =	shalt  }
0x7f: {  	_ =	shalt  }
0x80: {  	_ =	shalt  }
0x81: {  	_ =	shalt  }
0x82: {  	_ =	shalt  }
0x83: {  	_ =	shalt  }
0x84: {  	_ =	shalt  }
0x85: {  	_ =	shalt  }
0x86: {  	_ =	shalt  }
0x87: {  	_ =	shalt  }
.Lfunc_end0:
.L_simem_size_0:
called_computation.1_lowered:
.L_overlay_start_0:
0x88: {  	s2 =	sld [smem:$0x3FD9]  }
0x89: {  	s3 =	sld [smem:$0x3FFE];
	_ =	sdelay $0x1  }
0x8a: {  	s1 =	srdreg.scid  }
0x8b: {  	s0 =	sand.u32 $0x1, s1  }
0x8c: {  	s17 =	sshll.u32 s0, $0xA;
	s2 =	sadd.s32 s3, s2  }
0x8d: {  	s2 =	sadd.s32 s2, s17  }
0x8e: {  	[smem:$0x3FC3] =	sst s2  }
0x8f: {  	_ = 	snop  }
0x90: {  	s2 =	sld [smem:$0x3FD0];
	(tm) =	ssettm $0x1  }
0x91: {  	s18 =	sld [smem:$0x3FFB];
	_ =	sdelay $0x3  }
0x92: {  	_ =	strace s18  }
0x93: {  	s3 =	sld [smem:$0x3FFC];
	_ =	sdelay $0x3  }
0x94: {  	_ =	strace s3  }
0x95: {  	s3 =	sld [smem:$0x3FFD];
	_ =	sdelay $0x3  }
0x96: {  	_ =	strace s3  }
0x97: {  	_ =	strace $0x8FFFFFFF  }
0x98: {  	s19 =	sld [smem:$0x3FDB];
	_ =	sdelay $0x1  }
0x99: {  	s4 =	simm.s32 $_scs_section_size  }
0x9a: {  	s5 =	simm.s32 $_size__tile_overlayer_lowered;
	s6 =	simm.s32 $_tile_overlayer_lowered  }
0x9b: {  	s22 =	simm.s32 $0x1BFF;
	s21 =	sshll.u32 s6, $0x1;
	s3 =	sadd.s32 s4, s19  }
0x9c: {  	s7 =	simm.s32 $0x0;
	s20 =	sshll.u32 s5, $0x1;
	s5 =	sadd.s32 s21, s3  }
0x9d: {  	[timem:s7], [sflag:s22] =	dma.local [hbm:s5], s20  }
0x9e: {  	_ =	swait.ge [sflag:s22], s20  }
0x9f: {  	s4 =	ssub.s32 $0x0, s20;
	[sflag:s22] =	ssyncset.done $0x0  }
0xa0: {  	[sflag:s22] =	ssyncadd.s32 s4;
	_ =	sdelay $0x1  }
0xa1: {  	s23 =	simm.s32 $0x1B8B  }
0xa2: {  	_ =	swait.ge [sflag:s23], $0x1  }
0xa3: {  	[sflag:s23] =	ssyncset.done $0x0  }
0xa4: {  	s25 =	simm.s32 $0x1B8E;
	s24 =	sld [smem:$0x3FFE];
	[sflag:s23] =	ssyncadd.s32 $0xFFFFFFFF  }
0xa5: {  	s26 =	simm.s32 $execute0_lowered;
	[smem:$0x3FD2] =	sst s25  }
0xa6: {  	s5 =	sshll.u32 s26, $0x1;
	_ =	strace $0x80000049;
	[dreg:$0x1] =	wrdreg $0xFFFFFFFF  }
0xa7: {  	s28 =	simm.s32 $_size_execute0_lowered;
	s3 =	sadd.s32 s3, s5;
	[dreg:$0x0] =	wrdreg $0x0  }
0xa8: {  	s5 =	sshll.u32 s28, $0x1;
	[dreg:$0x2] =	wrdreg s3  }
0xa9: {  	[dreg:$0x3] =	wrdreg s5  }
0xaa: {  	[dreg:$0x4] =	wrdreg $0xC0  }
0xab: {  	_ =	task [dreg:s7], $0x5FFFF  }
0xac: {  	[dreg:$0x1] =	wrdreg $0xFFFFFFFF  }
0xad: {  	[dreg:$0x0] =	wrdreg $0x60  }
0xae: {  	[dreg:$0x2] =	wrdreg s24  }
0xaf: {  	[dreg:$0x3] =	wrdreg s2  }
0xb0: {  	[dreg:$0x4] =	wrdreg $0x9  }
0xb1: {  	_ =	task.clear_ibuf [dreg:s7], $0x5FFFF;
	_ =	strace $0x90000049  }
0xb2: {  	s29 =	simm.s32 $0x9;
	_ =	strace $0x8000004B  }
0xb3: {  	_ =	swait.ge [sflag:s29], $0x1  }
0xb4: {  	[sflag:s29] =	ssyncadd.s32 $0xFFFFFFFF  }
0xb5: {  	_ =	strace $0x9000004B  }
0xb6: {  	_ =	sfence  }
0xb7: {  	s30 =	sld [smem:$0x0];
	_ =	sdelay $0x2  }
0xb8: {  	s31 =	sshll.u32 s1, $0xD;
	s1 =	sshrl.u32 s1, $0x2  }
0xb9: {  	s3 =	sand.u32 $0x4000, s31;
	s1 =	sadd.s32 s1, s30  }
0xba: {  	s0 =	sor.u32 s3, s0;
	s1 =	sshll.u32 s1, $0x11  }
0xbb: {  	s0 =	sor.u32 s1, s0  }
0xbc: {  	s0 =	sadd.s32 $0x8F2B, s0  }
0xbd: {  	[sflag:s0] =	ssyncadd.remote.s32 $0x1  }
0xbe: {  	_ =	sfence.sel $0xFFFF  }
0xbf: {  	[dreg:$0x0] =	wrdreg $0xFFFFFFFF;
	(pc) =	sbr.abs _section_cstart, $3  }
0xc0: {  	[dreg:$0x1] =	wrdreg $0xFFFFFFFF  }
0xc1: {  	_ =	task.clear_ibuf [dreg:s7], $0x2FFFF;
	_ =	strace $0x9FFFFFFF  }
0xc2: {  	(tm) =	ssettm $0x7FFFFFFF  }
0xc3: {  	_ =	shalt  }
tec
execute0_lowered:
.L_overlay_start_1:
0x0: {  	(tag) =	ssettag $0x1  }
0x1: {  	s1 =	srdreg.scid  }
0x2: {  	s0 =	stileid.u32;
	s6 =	sand.u32 $0x1, s1  }
0x3: {  	s5 =	rddreg [dreg:$0x0];
	s30 =	sshll.u32 s0, $0x8;
	s2 =	sshll.u32 s6, $0x7  }
0x4: {  	s8 =	rddreg [dreg:$0x1];
	s9 =	sor.u32 s2, s30  }
0x5: {  	s1 =	rddreg [dreg:$0x2];
	s2 =	simm.s32 $0x0;
	s3 =	sshrl.u32 s9, $0x3  }
0x6: {  	s10 =	ssub.s32 $0x2, s6;
	[smem:$0x7FF] =	sst s2;
	s3 =	sadd.s32 s3, s5  }
0x7: {  	_ =	strace $0x8000004A;
	s4 =	sadd.s32 $0x1800, s3;
	s3 =	simm.s32 $0x2  }
0x8: {  	[tilespmem:s2], [sflag:$0x2] =	stream.linear.gather [hbm4b:s4+s2], $0x80, $0x38;
	[tilespmem:$0x4080] =	vst v63  }
0x9: {  	s7 =	simm.s32 $0x1;
	s11 =	sshrl.u32 s10, $0x1;
	_ =	swait.ge [sflag:s3], $0x80  }
0xa: {  	s6 =	simm.s32 $0x80;
	s10 =	ssub.s32 s10, s11;
	[sflag:s3] =	ssyncset.done $0x0  }
0xb: {  	s5 =	sadd.s32 $0x1A00, s5;
	s31 =	smax.u32 s10, $0x1;
	[sflag:s3] =	ssyncadd.s32 $0xFFFFFF80  }
0xc: {  	[tilespmem:s6], [sflag:$0x1] =	stream.indirect.gather [hbm4b:s5+s6], $0x80, s2, s6, $0xb8;
	[tilespmem:$0x4080] =	vst v63  }
0xd: {  	p0 =	sne.s32 s31, $0x1;
	_ =	swait.ge [sflag:s7], $0x4000  }
.Ltmp0:
0xe: {  	s9 =	sshll.u32 s9, $0x4;
	[sflag:s7] =	ssyncset.done $0x0;
	(pc) =	sbr.rel @!p0 .LBB2_2-.Ltmp0, $4  }
0xf: {  	s8 =	sadd.s32 s8, s9;
	[sflag:s7] =	ssyncadd.s32 $0xFFFFC000  }
0x10: {  	[hbm4b:s8+s2] =	stream.linear.scatter [tilespmem:s6], [sflag:$0x2], $0x4000, $0x38;
	[tilespmem:$0x4080] =	vst v63  }
0x11: {  	_ =	swait.ge [sflag:s3], $0x4000  }
0x12: {  	s9 =	sadd.s32 $0xFFFFFFFF, s31;
	[sflag:s3] =	ssyncset.done $0x0  }
.LBB2_1:
0x13: {  	p0 =	sne.s32 s9, $0x1;
	s9 =	sadd.s32 $0xFFFFFFFF, s9;
	[sflag:s3] =	ssyncadd.s32 $0xFFFFC000  }
0x14: {  	[tilespmem:s2], [sflag:$0x2] =	stream.linear.gather [hbm4b:s4+s2], $0x80, $0x38;
	[tilespmem:$0x4080] =	vst v63  }
0x15: {  	_ =	swait.ge [sflag:s3], $0x80  }
0x16: {  	[sflag:s3] =	ssyncset.done $0x0  }
0x17: {  	[sflag:s3] =	ssyncadd.s32 $0xFFFFFF80  }
0x18: {  	[tilespmem:s6], [sflag:$0x1] =	stream.indirect.gather [hbm4b:s5+s6], $0x80, s2, s6, $0xb8;
	[tilespmem:$0x4080] =	vst v63  }
0x19: {  	_ =	swait.ge [sflag:s7], $0x4000  }
.Ltmp1:
0x1a: {  	[sflag:s7] =	ssyncset.done $0x0;
	(pc) =	sbr.rel @p0 .LBB2_1-.Ltmp1, $4  }
0x1b: {  	[sflag:s7] =	ssyncadd.s32 $0xFFFFC000  }
0x1c: {  	[hbm4b:s8+s2] =	stream.linear.scatter [tilespmem:s6], [sflag:$0x2], $0x4000, $0x38;
	[tilespmem:$0x4080] =	vst v63  }
0x1d: {  	_ =	swait.ge [sflag:s3], $0x4000  }
0x1e: {  	[sflag:s3] =	ssyncset.done $0x0  }
.LBB2_2:
0x1f: {  	[sflag:s3] =	ssyncadd.s32 $0xFFFFC000  }
0x20: {  	_ =	sfence.sel $0x180000  }
0x21: {  	[bflag:$0x0] =	sbarrier.arrive $0xFFFF  }
0x22: {  	p0 =	sne.s32 s0, $0x0;
	_ =	strace $0x9000004A  }
0x23: {  	s0 =	sadd.s32 @!p0 $0x100000, s1;
	[bflag:$0x2] =	sbarrier.arrive $0xFFFF  }
0x24: {  	[sflag:s0] =	ssyncadd.tile.s32 @!p0 $0x1;
	_ =	shalt  }
.Lfunc_end2:
_tile_overlayer_lowered:
.L_overlay_start_2:
0x25: {  	(tag) =	ssettag $0x2  }
0x26: {  	s0 =	rddreg [dreg:$0x0];
	s2 =	stileid.u32  }
0x27: {  	s1 =	rddreg [dreg:$0x1];
	p0 =	sne.s32 s2, $0x0  }
0x28: {  	s3 =	rddreg [dreg:$0x2];
	[bflag:$0x3] =	sbarrier.arrive $0xFFFF;
	s2 =	simm.s32 @!p0 $0x1C02  }
0x29: {  	[timem:s3], [sflag:s2] =	dma.local @!p0 [hbm:s0], s1  }
0x2a: {  	s0 =	simm.s32 @!p0 $0x2  }
0x2b: {  	_ =	swait.ge @!p0 [sflag:s0], s1  }
0x2c: {  	s1 =	ssub.s32 @!p0 $0x0, s1;
	[sflag:s0] =	ssyncset.done @!p0 $0x0  }
0x2d: {  	[sflag:s0] =	ssyncadd.s32 @!p0 s1  }
0x2e: {  	[bflag:$0x3] =	sbarrier.arrive $0xFFFF  }
0x2f: {  	_ =	shalt  }

</sc_bundles>
